<compile_context>
chip_gen: v7x
topology: tpu7x:2x2x1
jax: 0.10.2.dev20260603
libtpu: 0.0.44.dev20260713+nightly
codegen_flags: <defaults>
</compile_context>

<pallas_src>
import functools

import jax
import jax.numpy as jnp
from jax import lax
from jax.experimental import pallas as pl
from jax.experimental.pallas import tpu as pltpu
from jax.experimental.pallas import tpu_sc as plsc

_VOCAB = 100000
_HID = 32
_B = 1024
_L = 200

_NC = 2
_NS = 16
_NW = _NC * _NS
_ROWS_PER_W = _B // _NW
_CK = 128
_CPW = (_ROWS_PER_W * _L) // _CK


def _sc_embed_mean(ids2d, table):
    mesh = plsc.VectorSubcoreMesh(core_axis_name="c", subcore_axis_name="s")

    @functools.partial(
        pl.kernel,
        out_type=jax.ShapeDtypeStruct((_B, _HID), jnp.float32),
        mesh=mesh,
        scratch_types=[
            pltpu.VMEM((_CPW, _CK), jnp.int32),
            pltpu.VMEM((2, _CK), jnp.int32),
            pltpu.VMEM((2, _CK, 128), jnp.float32),
            pltpu.VMEM((_ROWS_PER_W, _HID), jnp.float32),
            pltpu.SemaphoreType.DMA,
            pltpu.SemaphoreType.DMA,
        ],
        compiler_params=pltpu.CompilerParams(use_tc_tiling_on_sc=False),
    )
    def k(table_hbm, ids_hbm, out_hbm, idsv, qidv, rows_v, hout_v, sem0, sem1):
        wid = lax.axis_index("s") * _NC + lax.axis_index("c")
        pltpu.sync_copy(ids_hbm.at[pl.ds(wid * _CPW, _CPW)], idsv)

        zf = jnp.zeros((16,), jnp.float32)

        def zero_body(r, c):
            hout_v[r, 0:16] = zf
            hout_v[r, 16:32] = zf
            return c

        lax.fori_loop(0, _ROWS_PER_W, zero_body, 0)

        sems = (sem0, sem1)

        def qprep(kc, slot):
            for c in range(_CK // 16):
                qidv[slot, c * 16:(c + 1) * 16] = (
                    idsv[kc, c * 16:(c + 1) * 16] >> 2
                )

        def gdesc(kc, slot):
            return pltpu.make_async_copy(
                table_hbm.at[qidv.at[slot]], rows_v.at[slot], sems[slot]
            )

        def accum(kc, slot):
            astart = kc * _CK
            a = astart // _L
            boundary = jnp.minimum(_CK, (a + 1) * _L - astart)

            def inner(it, carry):
                t0, t1, f0, f1 = carry
                j0 = it * 8
                for c2 in range(8):
                    j = j0 + c2
                    x0 = rows_v[slot, j, 0:16]
                    x1 = rows_v[slot, j, 16:32]
                    m = j < boundary
                    t0 = t0 + x0
                    t1 = t1 + x1
                    f0 = f0 + jnp.where(m, x0, 0.0)
                    f1 = f1 + jnp.where(m, x1, 0.0)
                return t0, t1, f0, f1

            t0, t1, f0, f1 = lax.fori_loop(
                0, _CK // 8, inner, (zf, zf, zf, zf)
            )
            hout_v[a, 0:16] = hout_v[a, 0:16] + f0
            hout_v[a, 16:32] = hout_v[a, 16:32] + f1

            @pl.when(boundary < _CK)
            def _():
                hout_v[a + 1, 0:16] = hout_v[a + 1, 0:16] + (t0 - f0)
                hout_v[a + 1, 16:32] = hout_v[a + 1, 16:32] + (t1 - f1)

        qprep(0, 0)
        gdesc(0, 0).start()

        def pair_body(p, carry):
            kc = 2 * p
            qprep(kc + 1, 1)
            gdesc(kc + 1, 1).start()
            gdesc(kc, 0).wait()
            accum(kc, 0)

            @pl.when(kc + 2 < _CPW)
            def _():
                qprep(kc + 2, 0)
                gdesc(kc + 2, 0).start()

            gdesc(kc + 1, 1).wait()
            accum(kc + 1, 1)
            return carry

        lax.fori_loop(0, _CPW // 2, pair_body, 0)

        scale = jnp.float32(1.0 / _L)

        def scale_body(r, c):
            hout_v[r, 0:16] = hout_v[r, 0:16] * scale
            hout_v[r, 16:32] = hout_v[r, 16:32] * scale
            return c

        lax.fori_loop(0, _ROWS_PER_W, scale_body, 0)
        pltpu.sync_copy(
            hout_v, out_hbm.at[pl.ds(wid * _ROWS_PER_W, _ROWS_PER_W)]
        )

    return k(table, ids2d)


_BT = 256
_TV = 8192
_NV = -(-_VOCAB // _TV)


def _tc_head_body(h_ref, w_ref, b_ref, t_ref, out_ref, lp_ref, m_sc, s_sc, t_sc):
    v = pl.program_id(1)
    block = jnp.dot(h_ref[...], w_ref[...], preferred_element_type=jnp.float32)
    block = block + b_ref[...]
    out_ref[...] = block

    col = lax.broadcasted_iota(jnp.int32, (_BT, _TV), 1)
    blockm = jnp.where(col < _VOCAB - v * _TV, block, -jnp.inf)
    tmax = jnp.max(blockm, axis=1, keepdims=True)
    tpart = jnp.sum(
        jnp.where(col == t_ref[...] - v * _TV, block, 0.0),
        axis=1, keepdims=True,
    )

    @pl.when(v == 0)
    def _():
        m_sc[...] = tmax
        s_sc[...] = jnp.sum(jnp.exp(blockm - tmax), axis=1, keepdims=True)
        t_sc[...] = tpart

    @pl.when(v > 0)
    def _():
        m_old = m_sc[...]
        m_new = jnp.maximum(m_old, tmax)
        s_sc[...] = s_sc[...] * jnp.exp(m_old - m_new) + jnp.sum(
            jnp.exp(blockm - m_new), axis=1, keepdims=True
        )
        m_sc[...] = m_new
        t_sc[...] = t_sc[...] + tpart

    @pl.when(v == _NV - 1)
    def _():
        lp_ref[...] = t_sc[...] - m_sc[...] - jnp.log(s_sc[...])


def _tc_head(h, head_W, head_b2, tgt, interpret=False):
    return pl.pallas_call(
        _tc_head_body,
        grid=(_B // _BT, _NV),
        in_specs=[
            pl.BlockSpec((_BT, _HID), lambda bi, vi: (bi, 0)),
            pl.BlockSpec((_HID, _TV), lambda bi, vi: (0, vi)),
            pl.BlockSpec((1, _TV), lambda bi, vi: (0, vi)),
            pl.BlockSpec((_BT, 1), lambda bi, vi: (bi, 0)),
        ],
        out_specs=[
            pl.BlockSpec((_BT, _TV), lambda bi, vi: (bi, vi)),
            pl.BlockSpec((_BT, 1), lambda bi, vi: (bi, 0)),
        ],
        out_shape=[
            jax.ShapeDtypeStruct((_B, _VOCAB), jnp.float32),
            jax.ShapeDtypeStruct((_B, 1), jnp.float32),
        ],
        scratch_shapes=[
            pltpu.VMEM((_BT, 1), jnp.float32),
            pltpu.VMEM((_BT, 1), jnp.float32),
            pltpu.VMEM((_BT, 1), jnp.float32),
        ],
        interpret=interpret,
    )(h, head_W, head_b2, tgt)


def kernel(input_ids, attention_mask, target_ids, target_lengths,
           emb_table, head_W, head_b):
    del attention_mask, target_lengths
    ids2d = input_ids.reshape(_B * _L // _CK, _CK).astype(jnp.int32)
    h = _sc_embed_mean(ids2d, emb_table.reshape(_VOCAB // 4, 128))
    logits, lp = _tc_head(
        h, head_W, head_b.reshape(1, _VOCAB), target_ids.astype(jnp.int32)
    )
    loss = -jnp.mean(lp)
    return (logits, loss)

# --- scband reference (transcript-rebuilt; emitter-appended) ---
"""Pipeline reference for scband-stub-model-57655640981893 (READ-ONLY COPY).

The authoritative reference and input builder live on the scoring server;
editing this copy changes nothing except your own understanding.
"""

import jax, jax.numpy as jnp
import numpy as np

VOCAB = 100000
HIDDEN = 32
B = 1024
L = 200


def setup_inputs(seed: int = 0) -> dict:
    key = jax.random.key(seed)
    k1, k2, k3, k4, k5, k6 = jax.random.split(key, 6)
    input_ids = jax.random.randint(k1, (B, L), 0, VOCAB)
    attention_mask = jnp.ones((B, L), dtype=jnp.int32)
    target_ids = jax.random.randint(k2, (B, 1), 0, VOCAB)
    target_lengths = jax.random.randint(k3, (B,), 1, L)
    # learned params: embedding table, head linear (stored as [HIDDEN, VOCAB] so logits = h @ W + b,
    # mathematically identical to torch nn.Linear(hidden, vocab))
    emb_table = jax.random.normal(k4, (VOCAB, HIDDEN), dtype=jnp.float32) * 0.02
    head_W = jax.random.normal(k5, (HIDDEN, VOCAB), dtype=jnp.float32) * 0.02
    head_b = jnp.zeros((VOCAB,), dtype=jnp.float32)
    return {
        "input_ids": input_ids,
        "attention_mask": attention_mask,
        "target_ids": target_ids,
        "target_lengths": target_lengths,
        "emb_table": emb_table,
        "head_W": head_W,
        "head_b": head_b,
    }


def reference(input_ids, attention_mask, target_ids, target_lengths, emb_table, head_W, head_b):
    # h = emb(input_ids).mean(dim=1)  -> gather + mean over sequence
    h = jnp.take(emb_table, input_ids, axis=0).mean(axis=1)  # [B, HIDDEN]
    # logits = head(h)
    logits = h @ head_W + head_b  # [B, VOCAB]
    # loss = cross_entropy(logits, target_ids[:, 0])
    tgt = target_ids[:, 0]
    logp = jax.nn.log_softmax(logits, axis=-1)
    loss = -jnp.mean(jnp.take_along_axis(logp, tgt[:, None], axis=1))
    return (logits, loss)

if __name__ == "__main__":
    import jax
    _d = setup_inputs()
    print(jax.jit(kernel)(*tuple(_d.values())))

</pallas_src>

<mosaic_0001>
#map = affine_map<(d0, d1) -> (0, 0)>
module attributes {stable_mosaic.version = 14 : i64} {
  func.func @k(%arg0: i32, %arg1: i32, %arg2: memref<25000x128xf32, #tpu.memory_space<hbm>>, %arg3: memref<1600x128xi32, #tpu.memory_space<hbm>>, %arg4: memref<1024x32xf32, #tpu.memory_space<hbm>>, %arg5: memref<50x128xi32, #tpu.memory_space<vmem>>, %arg6: memref<2x128xi32, #tpu.memory_space<vmem>>, %arg7: memref<2x128x128xf32, #tpu.memory_space<vmem>>, %arg8: memref<32x32xf32, #tpu.memory_space<vmem>>, %arg9: memref<!tpu.dma_semaphore, #tpu.memory_space<semaphore_mem>>, %arg10: memref<!tpu.dma_semaphore, #tpu.memory_space<semaphore_mem>>) attributes {dimension_semantics = [#tpu.dimension_semantics<core_parallel>, #tpu.dimension_semantics<subcore_parallel>], iteration_bounds = array<i64: 2, 16>, scalar_prefetch = 0 : i64, scratch_operands = 6 : i64, tpu.core_type = #tpu.core_type<sc_vector_subcore>, window_params = [{transform_indices = #map}, {transform_indices = #map}, {transform_indices = #map}]} {
    %mul3A = arith.constant 2 : i32
    %mul3A_0 = arith.muli %arg1, %mul3A : i32
    %add3A = arith.addi %mul3A_0, %arg0 : i32
    %mul3A_1 = arith.constant 50 : i32
    %mul3A_2 = arith.muli %add3A, %mul3A_1 : i32
    "tpu.region"() ({
      %run_scoped3A = tpu.sem_alloc : memref<!tpu.dma_semaphore, #tpu.memory_space<semaphore_mem>>
      %dma_start3A_144 = arith.constant 0 : i32
      %dma_start3A_145 = tpu.memref_slice %arg3[%mul3A_2, %dma_start3A_144] : memref<1600x128xi32, #tpu.memory_space<hbm>> -> memref<50x128xi32, #tpu.memory_space<hbm>>
      %dma_start3A_146 = arith.constant 0 : i32
      %dma_start3A_147 = tpu.memref_slice %arg3[%mul3A_2, %dma_start3A_146] : memref<1600x128xi32, #tpu.memory_space<hbm>> -> memref<50x128xi32, #tpu.memory_space<hbm>>
      tpu.enqueue_dma source(%dma_start3A_147 : memref<50x128xi32, #tpu.memory_space<hbm>>) target(%arg5 : memref<50x128xi32, #tpu.memory_space<vmem>>) target_semaphore(%run_scoped3A : memref<!tpu.dma_semaphore, #tpu.memory_space<semaphore_mem>>)
      %dma_wait3A = arith.constant 0 : i32
      %dma_wait3A_148 = tpu.memref_slice %arg3[%mul3A_2, %dma_wait3A] : memref<1600x128xi32, #tpu.memory_space<hbm>> -> memref<50x128xi32, #tpu.memory_space<hbm>>
      %dma_wait3A_149 = arith.constant 0 : i32
      %dma_wait3A_150 = tpu.memref_slice %arg3[%mul3A_2, %dma_wait3A_149] : memref<1600x128xi32, #tpu.memory_space<hbm>> -> memref<50x128xi32, #tpu.memory_space<hbm>>
      tpu.wait_dma2 semaphore(%run_scoped3A : memref<!tpu.dma_semaphore, #tpu.memory_space<semaphore_mem>>) src(%dma_wait3A_150 : memref<50x128xi32, #tpu.memory_space<hbm>>) dst(%arg5 : memref<50x128xi32, #tpu.memory_space<vmem>>)
      tpu.yield
    }) : () -> ()
    %broadcast_in_dim3A = arith.constant 0.000000e+00 : f32
    %broadcast_in_dim3A_3 = vector.broadcast %broadcast_in_dim3A : f32 to vector<16xf32>
    %scan3A = arith.constant 0 : i32
    %scan3A_4 = arith.constant 0 : i32
    %scan3A_5 = arith.constant 32 : i32
    %scan3A_6 = arith.addi %scan3A_4, %scan3A_5 : i32
    %scan3A_7 = arith.constant 1 : i32
    scf.for %scan3A_144 = %scan3A_4 to %scan3A_6 step %scan3A_7  : i32 {
      %swap3A_145 = arith.index_cast %scan3A_144 : i32 to index
      %swap3A_146 = arith.constant 0 : index
      %swap3A_147 = tpu.vector_load %arg8[%swap3A_145, %swap3A_146] {strides = array<i32>} : memref<32x32xf32, #tpu.memory_space<vmem>>, vector<1x16xf32>,
      %swap3A_148 = vector.shape_cast %swap3A_147 : vector<1x16xf32> to vector<16xf32>
      %swap3A_149 = vector.shape_cast %broadcast_in_dim3A_3 : vector<16xf32> to vector<1x16xf32>
      tpu.vector_store %arg8[%swap3A_145, %swap3A_146], %swap3A_149 {strides = array<i32>} : memref<32x32xf32, #tpu.memory_space<vmem>>, vector<1x16xf32>,
      %swap3A_150 = arith.index_cast %scan3A_144 : i32 to index
      %swap3A_151 = arith.constant 16 : index
      %swap3A_152 = tpu.vector_load %arg8[%swap3A_150, %swap3A_151] {strides = array<i32>} : memref<32x32xf32, #tpu.memory_space<vmem>>, vector<1x16xf32>,
      %swap3A_153 = vector.shape_cast %swap3A_152 : vector<1x16xf32> to vector<16xf32>
      %swap3A_154 = vector.shape_cast %broadcast_in_dim3A_3 : vector<16xf32> to vector<1x16xf32>
      tpu.vector_store %arg8[%swap3A_150, %swap3A_151], %swap3A_154 {strides = array<i32>} : memref<32x32xf32, #tpu.memory_space<vmem>>, vector<1x16xf32>,
    }
    %scan3A_8 = arith.constant 32 : i32
    %get3A = arith.constant 0 : i32
    %get3A_9 = arith.index_cast %get3A : i32 to index
    %get3A_10 = arith.constant 0 : index
    %get3A_11 = tpu.vector_load %arg5[%get3A_9, %get3A_10] {strides = array<i32>} : memref<50x128xi32, #tpu.memory_space<vmem>>, vector<1x16xi32>,
    %get3A_12 = vector.shape_cast %get3A_11 : vector<1x16xi32> to vector<16xi32>
    %shift_right_arithmetic3A = arith.constant 2 : i32
    %shift_right_arithmetic3A_13 = vector.broadcast %shift_right_arithmetic3A : i32 to vector<16xi32>
    %shift_right_arithmetic3A_14 = arith.shrsi %get3A_12, %shift_right_arithmetic3A_13 : vector<16xi32>
    %swap3A = arith.constant 0 : i32
    %swap3A_15 = arith.index_cast %swap3A : i32 to index
    %swap3A_16 = arith.constant 0 : index
    %swap3A_17 = tpu.vector_load %arg6[%swap3A_15, %swap3A_16] {strides = array<i32>} : memref<2x128xi32, #tpu.memory_space<vmem>>, vector<1x16xi32>,
    %swap3A_18 = vector.shape_cast %swap3A_17 : vector<1x16xi32> to vector<16xi32>
    %swap3A_19 = vector.shape_cast %shift_right_arithmetic3A_14 : vector<16xi32> to vector<1x16xi32>
    tpu.vector_store %arg6[%swap3A_15, %swap3A_16], %swap3A_19 {strides = array<i32>} : memref<2x128xi32, #tpu.memory_space<vmem>>, vector<1x16xi32>,
    %get3A_20 = arith.constant 0 : i32
    %get3A_21 = arith.index_cast %get3A_20 : i32 to index
    %get3A_22 = arith.constant 16 : index
    %get3A_23 = tpu.vector_load %arg5[%get3A_21, %get3A_22] {strides = array<i32>} : memref<50x128xi32, #tpu.memory_space<vmem>>, vector<1x16xi32>,
    %get3A_24 = vector.shape_cast %get3A_23 : vector<1x16xi32> to vector<16xi32>
    %shift_right_arithmetic3A_25 = arith.constant 2 : i32
    %shift_right_arithmetic3A_26 = vector.broadcast %shift_right_arithmetic3A_25 : i32 to vector<16xi32>
    %shift_right_arithmetic3A_27 = arith.shrsi %get3A_24, %shift_right_arithmetic3A_26 : vector<16xi32>
    %swap3A_28 = arith.constant 0 : i32
    %swap3A_29 = arith.index_cast %swap3A_28 : i32 to index
    %swap3A_30 = arith.constant 16 : index
    %swap3A_31 = tpu.vector_load %arg6[%swap3A_29, %swap3A_30] {strides = array<i32>} : memref<2x128xi32, #tpu.memory_space<vmem>>, vector<1x16xi32>,
    %swap3A_32 = vector.shape_cast %swap3A_31 : vector<1x16xi32> to vector<16xi32>
    %swap3A_33 = vector.shape_cast %shift_right_arithmetic3A_27 : vector<16xi32> to vector<1x16xi32>
    tpu.vector_store %arg6[%swap3A_29, %swap3A_30], %swap3A_33 {strides = array<i32>} : memref<2x128xi32, #tpu.memory_space<vmem>>, vector<1x16xi32>,
    %get3A_34 = arith.constant 0 : i32
    %get3A_35 = arith.index_cast %get3A_34 : i32 to index
    %get3A_36 = arith.constant 32 : index
    %get3A_37 = tpu.vector_load %arg5[%get3A_35, %get3A_36] {strides = array<i32>} : memref<50x128xi32, #tpu.memory_space<vmem>>, vector<1x16xi32>,
    %get3A_38 = vector.shape_cast %get3A_37 : vector<1x16xi32> to vector<16xi32>
    %shift_right_arithmetic3A_39 = arith.constant 2 : i32
    %shift_right_arithmetic3A_40 = vector.broadcast %shift_right_arithmetic3A_39 : i32 to vector<16xi32>
    %shift_right_arithmetic3A_41 = arith.shrsi %get3A_38, %shift_right_arithmetic3A_40 : vector<16xi32>
    %swap3A_42 = arith.constant 0 : i32
    %swap3A_43 = arith.index_cast %swap3A_42 : i32 to index
    %swap3A_44 = arith.constant 32 : index
    %swap3A_45 = tpu.vector_load %arg6[%swap3A_43, %swap3A_44] {strides = array<i32>} : memref<2x128xi32, #tpu.memory_space<vmem>>, vector<1x16xi32>,
    %swap3A_46 = vector.shape_cast %swap3A_45 : vector<1x16xi32> to vector<16xi32>
    %swap3A_47 = vector.shape_cast %shift_right_arithmetic3A_41 : vector<16xi32> to vector<1x16xi32>
    tpu.vector_store %arg6[%swap3A_43, %swap3A_44], %swap3A_47 {strides = array<i32>} : memref<2x128xi32, #tpu.memory_space<vmem>>, vector<1x16xi32>,
    %get3A_48 = arith.constant 0 : i32
    %get3A_49 = arith.index_cast %get3A_48 : i32 to index
    %get3A_50 = arith.constant 48 : index
    %get3A_51 = tpu.vector_load %arg5[%get3A_49, %get3A_50] {strides = array<i32>} : memref<50x128xi32, #tpu.memory_space<vmem>>, vector<1x16xi32>,
    %get3A_52 = vector.shape_cast %get3A_51 : vector<1x16xi32> to vector<16xi32>
    %shift_right_arithmetic3A_53 = arith.constant 2 : i32
    %shift_right_arithmetic3A_54 = vector.broadcast %shift_right_arithmetic3A_53 : i32 to vector<16xi32>
    %shift_right_arithmetic3A_55 = arith.shrsi %get3A_52, %shift_right_arithmetic3A_54 : vector<16xi32>
    %swap3A_56 = arith.constant 0 : i32
    %swap3A_57 = arith.index_cast %swap3A_56 : i32 to index
    %swap3A_58 = arith.constant 48 : index
    %swap3A_59 = tpu.vector_load %arg6[%swap3A_57, %swap3A_58] {strides = array<i32>} : memref<2x128xi32, #tpu.memory_space<vmem>>, vector<1x16xi32>,
    %swap3A_60 = vector.shape_cast %swap3A_59 : vector<1x16xi32> to vector<16xi32>
    %swap3A_61 = vector.shape_cast %shift_right_arithmetic3A_55 : vector<16xi32> to vector<1x16xi32>
    tpu.vector_store %arg6[%swap3A_57, %swap3A_58], %swap3A_61 {strides = array<i32>} : memref<2x128xi32, #tpu.memory_space<vmem>>, vector<1x16xi32>,
    %get3A_62 = arith.constant 0 : i32
    %get3A_63 = arith.index_cast %get3A_62 : i32 to index
    %get3A_64 = arith.constant 64 : index
    %get3A_65 = tpu.vector_load %arg5[%get3A_63, %get3A_64] {strides = array<i32>} : memref<50x128xi32, #tpu.memory_space<vmem>>, vector<1x16xi32>,
    %get3A_66 = vector.shape_cast %get3A_65 : vector<1x16xi32> to vector<16xi32>
    %shift_right_arithmetic3A_67 = arith.constant 2 : i32
    %shift_right_arithmetic3A_68 = vector.broadcast %shift_right_arithmetic3A_67 : i32 to vector<16xi32>
    %shift_right_arithmetic3A_69 = arith.shrsi %get3A_66, %shift_right_arithmetic3A_68 : vector<16xi32>
    %swap3A_70 = arith.constant 0 : i32
    %swap3A_71 = arith.index_cast %swap3A_70 : i32 to index
    %swap3A_72 = arith.constant 64 : index
    %swap3A_73 = tpu.vector_load %arg6[%swap3A_71, %swap3A_72] {strides = array<i32>} : memref<2x128xi32, #tpu.memory_space<vmem>>, vector<1x16xi32>,
    %swap3A_74 = vector.shape_cast %swap3A_73 : vector<1x16xi32> to vector<16xi32>
    %swap3A_75 = vector.shape_cast %shift_right_arithmetic3A_69 : vector<16xi32> to vector<1x16xi32>
    tpu.vector_store %arg6[%swap3A_71, %swap3A_72], %swap3A_75 {strides = array<i32>} : memref<2x128xi32, #tpu.memory_space<vmem>>, vector<1x16xi32>,
    %get3A_76 = arith.constant 0 : i32
    %get3A_77 = arith.index_cast %get3A_76 : i32 to index
    %get3A_78 = arith.constant 80 : index
    %get3A_79 = tpu.vector_load %arg5[%get3A_77, %get3A_78] {strides = array<i32>} : memref<50x128xi32, #tpu.memory_space<vmem>>, vector<1x16xi32>,
    %get3A_80 = vector.shape_cast %get3A_79 : vector<1x16xi32> to vector<16xi32>
    %shift_right_arithmetic3A_81 = arith.constant 2 : i32
    %shift_right_arithmetic3A_82 = vector.broadcast %shift_right_arithmetic3A_81 : i32 to vector<16xi32>
    %shift_right_arithmetic3A_83 = arith.shrsi %get3A_80, %shift_right_arithmetic3A_82 : vector<16xi32>
    %swap3A_84 = arith.constant 0 : i32
    %swap3A_85 = arith.index_cast %swap3A_84 : i32 to index
    %swap3A_86 = arith.constant 80 : index
    %swap3A_87 = tpu.vector_load %arg6[%swap3A_85, %swap3A_86] {strides = array<i32>} : memref<2x128xi32, #tpu.memory_space<vmem>>, vector<1x16xi32>,
    %swap3A_88 = vector.shape_cast %swap3A_87 : vector<1x16xi32> to vector<16xi32>
    %swap3A_89 = vector.shape_cast %shift_right_arithmetic3A_83 : vector<16xi32> to vector<1x16xi32>
    tpu.vector_store %arg6[%swap3A_85, %swap3A_86], %swap3A_89 {strides = array<i32>} : memref<2x128xi32, #tpu.memory_space<vmem>>, vector<1x16xi32>,
    %get3A_90 = arith.constant 0 : i32
    %get3A_91 = arith.index_cast %get3A_90 : i32 to index
    %get3A_92 = arith.constant 96 : index
    %get3A_93 = tpu.vector_load %arg5[%get3A_91, %get3A_92] {strides = array<i32>} : memref<50x128xi32, #tpu.memory_space<vmem>>, vector<1x16xi32>,
    %get3A_94 = vector.shape_cast %get3A_93 : vector<1x16xi32> to vector<16xi32>
    %shift_right_arithmetic3A_95 = arith.constant 2 : i32
    %shift_right_arithmetic3A_96 = vector.broadcast %shift_right_arithmetic3A_95 : i32 to vector<16xi32>
    %shift_right_arithmetic3A_97 = arith.shrsi %get3A_94, %shift_right_arithmetic3A_96 : vector<16xi32>
    %swap3A_98 = arith.constant 0 : i32
    %swap3A_99 = arith.index_cast %swap3A_98 : i32 to index
    %swap3A_100 = arith.constant 96 : index
    %swap3A_101 = tpu.vector_load %arg6[%swap3A_99, %swap3A_100] {strides = array<i32>} : memref<2x128xi32, #tpu.memory_space<vmem>>, vector<1x16xi32>,
    %swap3A_102 = vector.shape_cast %swap3A_101 : vector<1x16xi32> to vector<16xi32>
    %swap3A_103 = vector.shape_cast %shift_right_arithmetic3A_97 : vector<16xi32> to vector<1x16xi32>
    tpu.vector_store %arg6[%swap3A_99, %swap3A_100], %swap3A_103 {strides = array<i32>} : memref<2x128xi32, #tpu.memory_space<vmem>>, vector<1x16xi32>,
    %get3A_104 = arith.constant 0 : i32
    %get3A_105 = arith.index_cast %get3A_104 : i32 to index
    %get3A_106 = arith.constant 112 : index
    %get3A_107 = tpu.vector_load %arg5[%get3A_105, %get3A_106] {strides = array<i32>} : memref<50x128xi32, #tpu.memory_space<vmem>>, vector<1x16xi32>,
    %get3A_108 = vector.shape_cast %get3A_107 : vector<1x16xi32> to vector<16xi32>
    %shift_right_arithmetic3A_109 = arith.constant 2 : i32
    %shift_right_arithmetic3A_110 = vector.broadcast %shift_right_arithmetic3A_109 : i32 to vector<16xi32>
    %shift_right_arithmetic3A_111 = arith.shrsi %get3A_108, %shift_right_arithmetic3A_110 : vector<16xi32>
    %swap3A_112 = arith.constant 0 : i32
    %swap3A_113 = arith.index_cast %swap3A_112 : i32 to index
    %swap3A_114 = arith.constant 112 : index
    %swap3A_115 = tpu.vector_load %arg6[%swap3A_113, %swap3A_114] {strides = array<i32>} : memref<2x128xi32, #tpu.memory_space<vmem>>, vector<1x16xi32>,
    %swap3A_116 = vector.shape_cast %swap3A_115 : vector<1x16xi32> to vector<16xi32>
    %swap3A_117 = vector.shape_cast %shift_right_arithmetic3A_111 : vector<16xi32> to vector<1x16xi32>
    tpu.vector_store %arg6[%swap3A_113, %swap3A_114], %swap3A_117 {strides = array<i32>} : memref<2x128xi32, #tpu.memory_space<vmem>>, vector<1x16xi32>,
    %dma_start3A = arith.constant 0 : i32
    %dma_start3A_118 = arith.constant 0 : i32
    %dma_start3A_119 = arith.constant 0 : i32
    %dma_start3A_120 = arith.constant 0 : i32
    %dma_start3A_121 = tpu.memref_slice %arg7[%dma_start3A_118, %dma_start3A_119, %dma_start3A_120] : memref<2x128x128xf32, #tpu.memory_space<vmem>> -> memref<1x128x128xf32, #tpu.memory_space<vmem>>
    %dma_start3A_122 = tpu.memref_squeeze %dma_start3A_121 : memref<1x128x128xf32, #tpu.memory_space<vmem>> -> memref<128x128xf32, #tpu.memory_space<vmem>>
    %dma_start3A_123 = arith.constant 0 : i32
    %dma_start3A_124 = tpu.memref_slice %arg6[%dma_start3A, %dma_start3A_123] : memref<2x128xi32, #tpu.memory_space<vmem>> -> memref<1x128xi32, #tpu.memory_space<vmem>>
    %dma_start3A_125 = tpu.memref_squeeze %dma_start3A_124 : memref<1x128xi32, #tpu.memory_space<vmem>> -> memref<128xi32, #tpu.memory_space<vmem>>
    %dma_start3A_126 = arith.constant 0 : i32
    %dma_start3A_127 = arith.constant 0 : i32
    %dma_start3A_128 = tpu.memref_slice %arg2[%dma_start3A_126, %dma_start3A_127] : memref<25000x128xf32, #tpu.memory_space<hbm>> -> memref<25000x128xf32, #tpu.memory_space<hbm>>
    tpu.enqueue_indirect_dma source(%dma_start3A_128 : memref<25000x128xf32, #tpu.memory_space<hbm>>) target(%dma_start3A_122 : memref<128x128xf32, #tpu.memory_space<vmem>>) offsets(%dma_start3A_125 : memref<128xi32, #tpu.memory_space<vmem>>) semaphore(%arg9 : memref<!tpu.dma_semaphore, #tpu.memory_space<semaphore_mem>>)
    %scan3A_129 = arith.constant 0 : i32
    %scan3A_130 = arith.constant 0 : i32
    %scan3A_131 = arith.constant 25 : i32
    %scan3A_132 = arith.addi %scan3A_130, %scan3A_131 : i32
    %scan3A_133 = arith.constant 1 : i32
    scf.for %scan3A_144 = %scan3A_130 to %scan3A_132 step %scan3A_133  : i32 {
      %mul3A_145 = arith.constant 2 : i32
      %mul3A_146 = arith.muli %mul3A_145, %scan3A_144 : i32
      %add3A_147 = arith.constant 1 : i32
      %add3A_148 = arith.addi %mul3A_146, %add3A_147 : i32
      %get3A_149 = arith.index_cast %add3A_148 : i32 to index
      %get3A_150 = arith.constant 0 : index
      %get3A_151 = tpu.vector_load %arg5[%get3A_149, %get3A_150] {strides = array<i32>} : memref<50x128xi32, #tpu.memory_space<vmem>>, vector<1x16xi32>,
      %get3A_152 = vector.shape_cast %get3A_151 : vector<1x16xi32> to vector<16xi32>
      %shift_right_arithmetic3A_153 = arith.constant 2 : i32
      %shift_right_arithmetic3A_154 = vector.broadcast %shift_right_arithmetic3A_153 : i32 to vector<16xi32>
      %shift_right_arithmetic3A_155 = arith.shrsi %get3A_152, %shift_right_arithmetic3A_154 : vector<16xi32>
      %swap3A_156 = arith.constant 1 : i32
      %swap3A_157 = arith.index_cast %swap3A_156 : i32 to index
      %swap3A_158 = arith.constant 0 : index
      %swap3A_159 = tpu.vector_load %arg6[%swap3A_157, %swap3A_158] {strides = array<i32>} : memref<2x128xi32, #tpu.memory_space<vmem>>, vector<1x16xi32>,
      %swap3A_160 = vector.shape_cast %swap3A_159 : vector<1x16xi32> to vector<16xi32>
      %swap3A_161 = vector.shape_cast %shift_right_arithmetic3A_155 : vector<16xi32> to vector<1x16xi32>
      tpu.vector_store %arg6[%swap3A_157, %swap3A_158], %swap3A_161 {strides = array<i32>} : memref<2x128xi32, #tpu.memory_space<vmem>>, vector<1x16xi32>,
      %get3A_162 = arith.index_cast %add3A_148 : i32 to index
      %get3A_163 = arith.constant 16 : index
      %get3A_164 = tpu.vector_load %arg5[%get3A_162, %get3A_163] {strides = array<i32>} : memref<50x128xi32, #tpu.memory_space<vmem>>, vector<1x16xi32>,
      %get3A_165 = vector.shape_cast %get3A_164 : vector<1x16xi32> to vector<16xi32>
      %shift_right_arithmetic3A_166 = arith.constant 2 : i32
      %shift_right_arithmetic3A_167 = vector.broadcast %shift_right_arithmetic3A_166 : i32 to vector<16xi32>
      %shift_right_arithmetic3A_168 = arith.shrsi %get3A_165, %shift_right_arithmetic3A_167 : vector<16xi32>
      %swap3A_169 = arith.constant 1 : i32
      %swap3A_170 = arith.index_cast %swap3A_169 : i32 to index
      %swap3A_171 = arith.constant 16 : index
      %swap3A_172 = tpu.vector_load %arg6[%swap3A_170, %swap3A_171] {strides = array<i32>} : memref<2x128xi32, #tpu.memory_space<vmem>>, vector<1x16xi32>,
      %swap3A_173 = vector.shape_cast %swap3A_172 : vector<1x16xi32> to vector<16xi32>
      %swap3A_174 = vector.shape_cast %shift_right_arithmetic3A_168 : vector<16xi32> to vector<1x16xi32>
      tpu.vector_store %arg6[%swap3A_170, %swap3A_171], %swap3A_174 {strides = array<i32>} : memref<2x128xi32, #tpu.memory_space<vmem>>, vector<1x16xi32>,
      %get3A_175 = arith.index_cast %add3A_148 : i32 to index
      %get3A_176 = arith.constant 32 : index
      %get3A_177 = tpu.vector_load %arg5[%get3A_175, %get3A_176] {strides = array<i32>} : memref<50x128xi32, #tpu.memory_space<vmem>>, vector<1x16xi32>,
      %get3A_178 = vector.shape_cast %get3A_177 : vector<1x16xi32> to vector<16xi32>
      %shift_right_arithmetic3A_179 = arith.constant 2 : i32
      %shift_right_arithmetic3A_180 = vector.broadcast %shift_right_arithmetic3A_179 : i32 to vector<16xi32>
      %shift_right_arithmetic3A_181 = arith.shrsi %get3A_178, %shift_right_arithmetic3A_180 : vector<16xi32>
      %swap3A_182 = arith.constant 1 : i32
      %swap3A_183 = arith.index_cast %swap3A_182 : i32 to index
      %swap3A_184 = arith.constant 32 : index
      %swap3A_185 = tpu.vector_load %arg6[%swap3A_183, %swap3A_184] {strides = array<i32>} : memref<2x128xi32, #tpu.memory_space<vmem>>, vector<1x16xi32>,
      %swap3A_186 = vector.shape_cast %swap3A_185 : vector<1x16xi32> to vector<16xi32>
      %swap3A_187 = vector.shape_cast %shift_right_arithmetic3A_181 : vector<16xi32> to vector<1x16xi32>
      tpu.vector_store %arg6[%swap3A_183, %swap3A_184], %swap3A_187 {strides = array<i32>} : memref<2x128xi32, #tpu.memory_space<vmem>>, vector<1x16xi32>,
      %get3A_188 = arith.index_cast %add3A_148 : i32 to index
      %get3A_189 = arith.constant 48 : index
      %get3A_190 = tpu.vector_load %arg5[%get3A_188, %get3A_189] {strides = array<i32>} : memref<50x128xi32, #tpu.memory_space<vmem>>, vector<1x16xi32>,
      %get3A_191 = vector.shape_cast %get3A_190 : vector<1x16xi32> to vector<16xi32>
      %shift_right_arithmetic3A_192 = arith.constant 2 : i32
      %shift_right_arithmetic3A_193 = vector.broadcast %shift_right_arithmetic3A_192 : i32 to vector<16xi32>
      %shift_right_arithmetic3A_194 = arith.shrsi %get3A_191, %shift_right_arithmetic3A_193 : vector<16xi32>
      %swap3A_195 = arith.constant 1 : i32
      %swap3A_196 = arith.index_cast %swap3A_195 : i32 to index
      %swap3A_197 = arith.constant 48 : index
      %swap3A_198 = tpu.vector_load %arg6[%swap3A_196, %swap3A_197] {strides = array<i32>} : memref<2x128xi32, #tpu.memory_space<vmem>>, vector<1x16xi32>,
      %swap3A_199 = vector.shape_cast %swap3A_198 : vector<1x16xi32> to vector<16xi32>
      %swap3A_200 = vector.shape_cast %shift_right_arithmetic3A_194 : vector<16xi32> to vector<1x16xi32>
      tpu.vector_store %arg6[%swap3A_196, %swap3A_197], %swap3A_200 {strides = array<i32>} : memref<2x128xi32, #tpu.memory_space<vmem>>, vector<1x16xi32>,
      %get3A_201 = arith.index_cast %add3A_148 : i32 to index
      %get3A_202 = arith.constant 64 : index
      %get3A_203 = tpu.vector_load %arg5[%get3A_201, %get3A_202] {strides = array<i32>} : memref<50x128xi32, #tpu.memory_space<vmem>>, vector<1x16xi32>,
      %get3A_204 = vector.shape_cast %get3A_203 : vector<1x16xi32> to vector<16xi32>
      %shift_right_arithmetic3A_205 = arith.constant 2 : i32
      %shift_right_arithmetic3A_206 = vector.broadcast %shift_right_arithmetic3A_205 : i32 to vector<16xi32>
      %shift_right_arithmetic3A_207 = arith.shrsi %get3A_204, %shift_right_arithmetic3A_206 : vector<16xi32>
      %swap3A_208 = arith.constant 1 : i32
      %swap3A_209 = arith.index_cast %swap3A_208 : i32 to index
      %swap3A_210 = arith.constant 64 : index
      %swap3A_211 = tpu.vector_load %arg6[%swap3A_209, %swap3A_210] {strides = array<i32>} : memref<2x128xi32, #tpu.memory_space<vmem>>, vector<1x16xi32>,
      %swap3A_212 = vector.shape_cast %swap3A_211 : vector<1x16xi32> to vector<16xi32>
      %swap3A_213 = vector.shape_cast %shift_right_arithmetic3A_207 : vector<16xi32> to vector<1x16xi32>
      tpu.vector_store %arg6[%swap3A_209, %swap3A_210], %swap3A_213 {strides = array<i32>} : memref<2x128xi32, #tpu.memory_space<vmem>>, vector<1x16xi32>,
      %get3A_214 = arith.index_cast %add3A_148 : i32 to index
      %get3A_215 = arith.constant 80 : index
      %get3A_216 = tpu.vector_load %arg5[%get3A_214, %get3A_215] {strides = array<i32>} : memref<50x128xi32, #tpu.memory_space<vmem>>, vector<1x16xi32>,
      %get3A_217 = vector.shape_cast %get3A_216 : vector<1x16xi32> to vector<16xi32>
      %shift_right_arithmetic3A_218 = arith.constant 2 : i32
      %shift_right_arithmetic3A_219 = vector.broadcast %shift_right_arithmetic3A_218 : i32 to vector<16xi32>
      %shift_right_arithmetic3A_220 = arith.shrsi %get3A_217, %shift_right_arithmetic3A_219 : vector<16xi32>
      %swap3A_221 = arith.constant 1 : i32
      %swap3A_222 = arith.index_cast %swap3A_221 : i32 to index
      %swap3A_223 = arith.constant 80 : index
      %swap3A_224 = tpu.vector_load %arg6[%swap3A_222, %swap3A_223] {strides = array<i32>} : memref<2x128xi32, #tpu.memory_space<vmem>>, vector<1x16xi32>,
      %swap3A_225 = vector.shape_cast %swap3A_224 : vector<1x16xi32> to vector<16xi32>
      %swap3A_226 = vector.shape_cast %shift_right_arithmetic3A_220 : vector<16xi32> to vector<1x16xi32>
      tpu.vector_store %arg6[%swap3A_222, %swap3A_223], %swap3A_226 {strides = array<i32>} : memref<2x128xi32, #tpu.memory_space<vmem>>, vector<1x16xi32>,
      %get3A_227 = arith.index_cast %add3A_148 : i32 to index
      %get3A_228 = arith.constant 96 : index
      %get3A_229 = tpu.vector_load %arg5[%get3A_227, %get3A_228] {strides = array<i32>} : memref<50x128xi32, #tpu.memory_space<vmem>>, vector<1x16xi32>,
      %get3A_230 = vector.shape_cast %get3A_229 : vector<1x16xi32> to vector<16xi32>
      %shift_right_arithmetic3A_231 = arith.constant 2 : i32
      %shift_right_arithmetic3A_232 = vector.broadcast %shift_right_arithmetic3A_231 : i32 to vector<16xi32>
      %shift_right_arithmetic3A_233 = arith.shrsi %get3A_230, %shift_right_arithmetic3A_232 : vector<16xi32>
      %swap3A_234 = arith.constant 1 : i32
      %swap3A_235 = arith.index_cast %swap3A_234 : i32 to index
      %swap3A_236 = arith.constant 96 : index
      %swap3A_237 = tpu.vector_load %arg6[%swap3A_235, %swap3A_236] {strides = array<i32>} : memref<2x128xi32, #tpu.memory_space<vmem>>, vector<1x16xi32>,
      %swap3A_238 = vector.shape_cast %swap3A_237 : vector<1x16xi32> to vector<16xi32>
      %swap3A_239 = vector.shape_cast %shift_right_arithmetic3A_233 : vector<16xi32> to vector<1x16xi32>
      tpu.vector_store %arg6[%swap3A_235, %swap3A_236], %swap3A_239 {strides = array<i32>} : memref<2x128xi32, #tpu.memory_space<vmem>>, vector<1x16xi32>,
      %get3A_240 = arith.index_cast %add3A_148 : i32 to index
      %get3A_241 = arith.constant 112 : index
      %get3A_242 = tpu.vector_load %arg5[%get3A_240, %get3A_241] {strides = array<i32>} : memref<50x128xi32, #tpu.memory_space<vmem>>, vector<1x16xi32>,
      %get3A_243 = vector.shape_cast %get3A_242 : vector<1x16xi32> to vector<16xi32>
      %shift_right_arithmetic3A_244 = arith.constant 2 : i32
      %shift_right_arithmetic3A_245 = vector.broadcast %shift_right_arithmetic3A_244 : i32 to vector<16xi32>
      %shift_right_arithmetic3A_246 = arith.shrsi %get3A_243, %shift_right_arithmetic3A_245 : vector<16xi32>
      %swap3A_247 = arith.constant 1 : i32
      %swap3A_248 = arith.index_cast %swap3A_247 : i32 to index
      %swap3A_249 = arith.constant 112 : index
      %swap3A_250 = tpu.vector_load %arg6[%swap3A_248, %swap3A_249] {strides = array<i32>} : memref<2x128xi32, #tpu.memory_space<vmem>>, vector<1x16xi32>,
      %swap3A_251 = vector.shape_cast %swap3A_250 : vector<1x16xi32> to vector<16xi32>
      %swap3A_252 = vector.shape_cast %shift_right_arithmetic3A_246 : vector<16xi32> to vector<1x16xi32>
      tpu.vector_store %arg6[%swap3A_248, %swap3A_249], %swap3A_252 {strides = array<i32>} : memref<2x128xi32, #tpu.memory_space<vmem>>, vector<1x16xi32>,
      %add3A_253 = arith.constant 1 : i32
      %add3A_254 = arith.addi %mul3A_146, %add3A_253 : i32
      %dma_start3A_255 = arith.constant 1 : i32
      %dma_start3A_256 = arith.constant 1 : i32
      %dma_start3A_257 = arith.constant 0 : i32
      %dma_start3A_258 = arith.constant 0 : i32
      %dma_start3A_259 = tpu.memref_slice %arg7[%dma_start3A_256, %dma_start3A_257, %dma_start3A_258] : memref<2x128x128xf32, #tpu.memory_space<vmem>> -> memref<1x128x128xf32, #tpu.memory_space<vmem>>
      %dma_start3A_260 = tpu.memref_squeeze %dma_start3A_259 : memref<1x128x128xf32, #tpu.memory_space<vmem>> -> memref<128x128xf32, #tpu.memory_space<vmem>>
      %dma_start3A_261 = arith.constant 0 : i32
      %dma_start3A_262 = tpu.memref_slice %arg6[%dma_start3A_255, %dma_start3A_261] : memref<2x128xi32, #tpu.memory_space<vmem>> -> memref<1x128xi32, #tpu.memory_space<vmem>>
      %dma_start3A_263 = tpu.memref_squeeze %dma_start3A_262 : memref<1x128xi32, #tpu.memory_space<vmem>> -> memref<128xi32, #tpu.memory_space<vmem>>
      %dma_start3A_264 = arith.constant 0 : i32
      %dma_start3A_265 = arith.constant 0 : i32
      %dma_start3A_266 = tpu.memref_slice %arg2[%dma_start3A_264, %dma_start3A_265] : memref<25000x128xf32, #tpu.memory_space<hbm>> -> memref<25000x128xf32, #tpu.memory_space<hbm>>
      tpu.enqueue_indirect_dma source(%dma_start3A_266 : memref<25000x128xf32, #tpu.memory_space<hbm>>) target(%dma_start3A_260 : memref<128x128xf32, #tpu.memory_space<vmem>>) offsets(%dma_start3A_263 : memref<128xi32, #tpu.memory_space<vmem>>) semaphore(%arg10 : memref<!tpu.dma_semaphore, #tpu.memory_space<semaphore_mem>>)
      %dma_wait3A = arith.constant 0 : i32
      %dma_wait3A_267 = arith.constant 0 : i32
      %dma_wait3A_268 = arith.constant 0 : i32
      %dma_wait3A_269 = arith.constant 0 : i32
      %dma_wait3A_270 = tpu.memref_slice %arg7[%dma_wait3A_267, %dma_wait3A_268, %dma_wait3A_269] : memref<2x128x128xf32, #tpu.memory_space<vmem>> -> memref<1x128x128xf32, #tpu.memory_space<vmem>>
      %dma_wait3A_271 = tpu.memref_squeeze %dma_wait3A_270 : memref<1x128x128xf32, #tpu.memory_space<vmem>> -> memref<128x128xf32, #tpu.memory_space<vmem>>
      %dma_wait3A_272 = arith.constant 0 : i32
      %dma_wait3A_273 = tpu.memref_slice %arg6[%dma_wait3A, %dma_wait3A_272] : memref<2x128xi32, #tpu.memory_space<vmem>> -> memref<1x128xi32, #tpu.memory_space<vmem>>
      %dma_wait3A_274 = tpu.memref_squeeze %dma_wait3A_273 : memref<1x128xi32, #tpu.memory_space<vmem>> -> memref<128xi32, #tpu.memory_space<vmem>>
      %dma_wait3A_275 = arith.constant 0 : i32
      %dma_wait3A_276 = arith.constant 0 : i32
      %dma_wait3A_277 = tpu.memref_slice %arg2[%dma_wait3A_275, %dma_wait3A_276] : memref<25000x128xf32, #tpu.memory_space<hbm>> -> memref<25000x128xf32, #tpu.memory_space<hbm>>
      tpu.wait_indirect_dma semaphore(%arg9 : memref<!tpu.dma_semaphore, #tpu.memory_space<semaphore_mem>>) src(%dma_wait3A_277 : memref<25000x128xf32, #tpu.memory_space<hbm>>) dst(%dma_wait3A_271 : memref<128x128xf32, #tpu.memory_space<vmem>>)
      %mul3A_278 = arith.constant 128 : i32
      %mul3A_279 = arith.muli %mul3A_146, %mul3A_278 : i32
      %jit3A = arith.constant 200 : i32
      %div3A = arith.divsi %mul3A_279, %jit3A : i32
      %sign3A = arith.constant 0 : i32
      %sign3A_280 = arith.cmpi sgt, %mul3A_279, %sign3A : i32
      %sign3A_281 = arith.extui %sign3A_280 : i1 to i32
      %sign3A_282 = arith.constant 0 : i32
      %sign3A_283 = arith.cmpi slt, %mul3A_279, %sign3A_282 : i32
      %sign3A_284 = arith.extui %sign3A_283 : i1 to i32
      %sign3A_285 = arith.subi %sign3A_281, %sign3A_284 : i32
      %sign3A_286 = arith.constant 0 : i32
      %sign3A_287 = arith.cmpi sgt, %jit3A, %sign3A_286 : i32
      %sign3A_288 = arith.extui %sign3A_287 : i1 to i32
      %sign3A_289 = arith.constant 0 : i32
      %sign3A_290 = arith.cmpi slt, %jit3A, %sign3A_289 : i32
      %sign3A_291 = arith.extui %sign3A_290 : i1 to i32
      %sign3A_292 = arith.subi %sign3A_288, %sign3A_291 : i32
      %ne3A = arith.cmpi ne, %sign3A_285, %sign3A_292 : i32
      %rem3A = arith.remsi %mul3A_279, %jit3A : i32
      %ne3A_293 = arith.constant 0 : i32
      %ne3A_294 = arith.cmpi ne, %rem3A, %ne3A_293 : i32
      %and3A = arith.andi %ne3A, %ne3A_294 : i1
      %sub3A = arith.constant 1 : i32
      %sub3A_295 = arith.subi %div3A, %sub3A : i32
      %select_n3A = arith.select %and3A, %sub3A_295, %div3A : i32
      %add3A_296 = arith.constant 1 : i32
      %add3A_297 = arith.addi %select_n3A, %add3A_296 : i32
      %mul3A_298 = arith.constant 200 : i32
      %mul3A_299 = arith.muli %add3A_297, %mul3A_298 : i32
      %sub3A_300 = arith.subi %mul3A_299, %mul3A_279 : i32
      %min3A = arith.constant 128 : i32
      %min3A_301 = arith.minsi %min3A, %sub3A_300 : i32
      %scan3A_302 = arith.constant 0 : i32
      %scan3A_303 = arith.constant 16 : i32
      %scan3A_304 = arith.addi %scan3A_302, %scan3A_303 : i32
      %scan3A_305 = arith.constant 1 : i32
      %scan3A_306:4 = scf.for %scan3A_417 = %scan3A_302 to %scan3A_304 step %scan3A_305 iter_args(%scan3A_418 = %broadcast_in_dim3A_3, %scan3A_419 = %broadcast_in_dim3A_3, %scan3A_420 = %broadcast_in_dim3A_3, %scan3A_421 = %broadcast_in_dim3A_3) -> (vector<16xf32>, vector<16xf32>, vector<16xf32>, vector<16xf32>)  : i32 {
        %mul3A_422 = arith.constant 8 : i32
        %mul3A_423 = arith.muli %scan3A_417, %mul3A_422 : i32
        %add3A_424 = arith.constant 0 : i32
        %add3A_425 = arith.addi %mul3A_423, %add3A_424 : i32
        %get3A_426 = arith.constant 0 : i32
        %get3A_427 = arith.index_cast %get3A_426 : i32 to index
        %get3A_428 = arith.index_cast %add3A_425 : i32 to index
        %get3A_429 = arith.constant 0 : index
        %get3A_430 = tpu.vector_load %arg7[%get3A_427, %get3A_428, %get3A_429] {strides = array<i32>} : memref<2x128x128xf32, #tpu.memory_space<vmem>>, vector<1x1x16xf32>,
        %get3A_431 = vector.shape_cast %get3A_430 : vector<1x1x16xf32> to vector<16xf32>
        %get3A_432 = arith.constant 0 : i32
        %get3A_433 = arith.index_cast %get3A_432 : i32 to index
        %get3A_434 = arith.index_cast %add3A_425 : i32 to index
        %get3A_435 = arith.constant 16 : index
        %get3A_436 = tpu.vector_load %arg7[%get3A_433, %get3A_434, %get3A_435] {strides = array<i32>} : memref<2x128x128xf32, #tpu.memory_space<vmem>>, vector<1x1x16xf32>,
        %get3A_437 = vector.shape_cast %get3A_436 : vector<1x1x16xf32> to vector<16xf32>
        %lt3A_438 = arith.cmpi slt, %add3A_425, %min3A_301 : i32
        %add3A_439 = arith.addf %scan3A_418, %get3A_431 : vector<16xf32>
        %add3A_440 = arith.addf %scan3A_419, %get3A_437 : vector<16xf32>
        %jit3A_441 = arith.constant 0.000000e+00 : f32
        %broadcast_in_dim3A_442 = vector.broadcast %jit3A_441 : f32 to vector<16xf32>
        %select_n3A_443 = arith.select %lt3A_438, %get3A_431, %broadcast_in_dim3A_442 : vector<16xf32>
        %add3A_444 = arith.addf %scan3A_420, %select_n3A_443 : vector<16xf32>
        %jit3A_445 = arith.constant 0.000000e+00 : f32
        %broadcast_in_dim3A_446 = vector.broadcast %jit3A_445 : f32 to vector<16xf32>
        %select_n3A_447 = arith.select %lt3A_438, %get3A_437, %broadcast_in_dim3A_446 : vector<16xf32>
        %add3A_448 = arith.addf %scan3A_421, %select_n3A_447 : vector<16xf32>
        %add3A_449 = arith.constant 1 : i32
        %add3A_450 = arith.addi %mul3A_423, %add3A_449 : i32
        %get3A_451 = arith.constant 0 : i32
        %get3A_452 = arith.index_cast %get3A_451 : i32 to index
        %get3A_453 = arith.index_cast %add3A_450 : i32 to index
        %get3A_454 = arith.constant 0 : index
        %get3A_455 = tpu.vector_load %arg7[%get3A_452, %get3A_453, %get3A_454] {strides = array<i32>} : memref<2x128x128xf32, #tpu.memory_space<vmem>>, vector<1x1x16xf32>,
        %get3A_456 = vector.shape_cast %get3A_455 : vector<1x1x16xf32> to vector<16xf32>
        %get3A_457 = arith.constant 0 : i32
        %get3A_458 = arith.index_cast %get3A_457 : i32 to index
        %get3A_459 = arith.index_cast %add3A_450 : i32 to index
        %get3A_460 = arith.constant 16 : index
        %get3A_461 = tpu.vector_load %arg7[%get3A_458, %get3A_459, %get3A_460] {strides = array<i32>} : memref<2x128x128xf32, #tpu.memory_space<vmem>>, vector<1x1x16xf32>,
        %get3A_462 = vector.shape_cast %get3A_461 : vector<1x1x16xf32> to vector<16xf32>
        %lt3A_463 = arith.cmpi slt, %add3A_450, %min3A_301 : i32
        %add3A_464 = arith.addf %add3A_439, %get3A_456 : vector<16xf32>
        %add3A_465 = arith.addf %add3A_440, %get3A_462 : vector<16xf32>
        %jit3A_466 = arith.constant 0.000000e+00 : f32
        %broadcast_in_dim3A_467 = vector.broadcast %jit3A_466 : f32 to vector<16xf32>
        %select_n3A_468 = arith.select %lt3A_463, %get3A_456, %broadcast_in_dim3A_467 : vector<16xf32>
        %add3A_469 = arith.addf %add3A_444, %select_n3A_468 : vector<16xf32>
        %jit3A_470 = arith.constant 0.000000e+00 : f32
        %broadcast_in_dim3A_471 = vector.broadcast %jit3A_470 : f32 to vector<16xf32>
        %select_n3A_472 = arith.select %lt3A_463, %get3A_462, %broadcast_in_dim3A_471 : vector<16xf32>
        %add3A_473 = arith.addf %add3A_448, %select_n3A_472 : vector<16xf32>
        %add3A_474 = arith.constant 2 : i32
        %add3A_475 = arith.addi %mul3A_423, %add3A_474 : i32
        %get3A_476 = arith.constant 0 : i32
        %get3A_477 = arith.index_cast %get3A_476 : i32 to index
        %get3A_478 = arith.index_cast %add3A_475 : i32 to index
        %get3A_479 = arith.constant 0 : index
        %get3A_480 = tpu.vector_load %arg7[%get3A_477, %get3A_478, %get3A_479] {strides = array<i32>} : memref<2x128x128xf32, #tpu.memory_space<vmem>>, vector<1x1x16xf32>,
        %get3A_481 = vector.shape_cast %get3A_480 : vector<1x1x16xf32> to vector<16xf32>
        %get3A_482 = arith.constant 0 : i32
        %get3A_483 = arith.index_cast %get3A_482 : i32 to index
        %get3A_484 = arith.index_cast %add3A_475 : i32 to index
        %get3A_485 = arith.constant 16 : index
        %get3A_486 = tpu.vector_load %arg7[%get3A_483, %get3A_484, %get3A_485] {strides = array<i32>} : memref<2x128x128xf32, #tpu.memory_space<vmem>>, vector<1x1x16xf32>,
        %get3A_487 = vector.shape_cast %get3A_486 : vector<1x1x16xf32> to vector<16xf32>
        %lt3A_488 = arith.cmpi slt, %add3A_475, %min3A_301 : i32
        %add3A_489 = arith.addf %add3A_464, %get3A_481 : vector<16xf32>
        %add3A_490 = arith.addf %add3A_465, %get3A_487 : vector<16xf32>
        %jit3A_491 = arith.constant 0.000000e+00 : f32
        %broadcast_in_dim3A_492 = vector.broadcast %jit3A_491 : f32 to vector<16xf32>
        %select_n3A_493 = arith.select %lt3A_488, %get3A_481, %broadcast_in_dim3A_492 : vector<16xf32>
        %add3A_494 = arith.addf %add3A_469, %select_n3A_493 : vector<16xf32>
        %jit3A_495 = arith.constant 0.000000e+00 : f32
        %broadcast_in_dim3A_496 = vector.broadcast %jit3A_495 : f32 to vector<16xf32>
        %select_n3A_497 = arith.select %lt3A_488, %get3A_487, %broadcast_in_dim3A_496 : vector<16xf32>
        %add3A_498 = arith.addf %add3A_473, %select_n3A_497 : vector<16xf32>
        %add3A_499 = arith.constant 3 : i32
        %add3A_500 = arith.addi %mul3A_423, %add3A_499 : i32
        %get3A_501 = arith.constant 0 : i32
        %get3A_502 = arith.index_cast %get3A_501 : i32 to index
        %get3A_503 = arith.index_cast %add3A_500 : i32 to index
        %get3A_504 = arith.constant 0 : index
        %get3A_505 = tpu.vector_load %arg7[%get3A_502, %get3A_503, %get3A_504] {strides = array<i32>} : memref<2x128x128xf32, #tpu.memory_space<vmem>>, vector<1x1x16xf32>,
        %get3A_506 = vector.shape_cast %get3A_505 : vector<1x1x16xf32> to vector<16xf32>
        %get3A_507 = arith.constant 0 : i32
        %get3A_508 = arith.index_cast %get3A_507 : i32 to index
        %get3A_509 = arith.index_cast %add3A_500 : i32 to index
        %get3A_510 = arith.constant 16 : index
        %get3A_511 = tpu.vector_load %arg7[%get3A_508, %get3A_509, %get3A_510] {strides = array<i32>} : memref<2x128x128xf32, #tpu.memory_space<vmem>>, vector<1x1x16xf32>,
        %get3A_512 = vector.shape_cast %get3A_511 : vector<1x1x16xf32> to vector<16xf32>
        %lt3A_513 = arith.cmpi slt, %add3A_500, %min3A_301 : i32
        %add3A_514 = arith.addf %add3A_489, %get3A_506 : vector<16xf32>
        %add3A_515 = arith.addf %add3A_490, %get3A_512 : vector<16xf32>
        %jit3A_516 = arith.constant 0.000000e+00 : f32
        %broadcast_in_dim3A_517 = vector.broadcast %jit3A_516 : f32 to vector<16xf32>
        %select_n3A_518 = arith.select %lt3A_513, %get3A_506, %broadcast_in_dim3A_517 : vector<16xf32>
        %add3A_519 = arith.addf %add3A_494, %select_n3A_518 : vector<16xf32>
        %jit3A_520 = arith.constant 0.000000e+00 : f32
        %broadcast_in_dim3A_521 = vector.broadcast %jit3A_520 : f32 to vector<16xf32>
        %select_n3A_522 = arith.select %lt3A_513, %get3A_512, %broadcast_in_dim3A_521 : vector<16xf32>
        %add3A_523 = arith.addf %add3A_498, %select_n3A_522 : vector<16xf32>
        %add3A_524 = arith.constant 4 : i32
        %add3A_525 = arith.addi %mul3A_423, %add3A_524 : i32
        %get3A_526 = arith.constant 0 : i32
        %get3A_527 = arith.index_cast %get3A_526 : i32 to index
        %get3A_528 = arith.index_cast %add3A_525 : i32 to index
        %get3A_529 = arith.constant 0 : index
        %get3A_530 = tpu.vector_load %arg7[%get3A_527, %get3A_528, %get3A_529] {strides = array<i32>} : memref<2x128x128xf32, #tpu.memory_space<vmem>>, vector<1x1x16xf32>,
        %get3A_531 = vector.shape_cast %get3A_530 : vector<1x1x16xf32> to vector<16xf32>
        %get3A_532 = arith.constant 0 : i32
        %get3A_533 = arith.index_cast %get3A_532 : i32 to index
        %get3A_534 = arith.index_cast %add3A_525 : i32 to index
        %get3A_535 = arith.constant 16 : index
        %get3A_536 = tpu.vector_load %arg7[%get3A_533, %get3A_534, %get3A_535] {strides = array<i32>} : memref<2x128x128xf32, #tpu.memory_space<vmem>>, vector<1x1x16xf32>,
        %get3A_537 = vector.shape_cast %get3A_536 : vector<1x1x16xf32> to vector<16xf32>
        %lt3A_538 = arith.cmpi slt, %add3A_525, %min3A_301 : i32
        %add3A_539 = arith.addf %add3A_514, %get3A_531 : vector<16xf32>
        %add3A_540 = arith.addf %add3A_515, %get3A_537 : vector<16xf32>
        %jit3A_541 = arith.constant 0.000000e+00 : f32
        %broadcast_in_dim3A_542 = vector.broadcast %jit3A_541 : f32 to vector<16xf32>
        %select_n3A_543 = arith.select %lt3A_538, %get3A_531, %broadcast_in_dim3A_542 : vector<16xf32>
        %add3A_544 = arith.addf %add3A_519, %select_n3A_543 : vector<16xf32>
        %jit3A_545 = arith.constant 0.000000e+00 : f32
        %broadcast_in_dim3A_546 = vector.broadcast %jit3A_545 : f32 to vector<16xf32>
        %select_n3A_547 = arith.select %lt3A_538, %get3A_537, %broadcast_in_dim3A_546 : vector<16xf32>
        %add3A_548 = arith.addf %add3A_523, %select_n3A_547 : vector<16xf32>
        %add3A_549 = arith.constant 5 : i32
        %add3A_550 = arith.addi %mul3A_423, %add3A_549 : i32
        %get3A_551 = arith.constant 0 : i32
        %get3A_552 = arith.index_cast %get3A_551 : i32 to index
        %get3A_553 = arith.index_cast %add3A_550 : i32 to index
        %get3A_554 = arith.constant 0 : index
        %get3A_555 = tpu.vector_load %arg7[%get3A_552, %get3A_553, %get3A_554] {strides = array<i32>} : memref<2x128x128xf32, #tpu.memory_space<vmem>>, vector<1x1x16xf32>,
        %get3A_556 = vector.shape_cast %get3A_555 : vector<1x1x16xf32> to vector<16xf32>
        %get3A_557 = arith.constant 0 : i32
        %get3A_558 = arith.index_cast %get3A_557 : i32 to index
        %get3A_559 = arith.index_cast %add3A_550 : i32 to index
        %get3A_560 = arith.constant 16 : index
        %get3A_561 = tpu.vector_load %arg7[%get3A_558, %get3A_559, %get3A_560] {strides = array<i32>} : memref<2x128x128xf32, #tpu.memory_space<vmem>>, vector<1x1x16xf32>,
        %get3A_562 = vector.shape_cast %get3A_561 : vector<1x1x16xf32> to vector<16xf32>
        %lt3A_563 = arith.cmpi slt, %add3A_550, %min3A_301 : i32
        %add3A_564 = arith.addf %add3A_539, %get3A_556 : vector<16xf32>
        %add3A_565 = arith.addf %add3A_540, %get3A_562 : vector<16xf32>
        %jit3A_566 = arith.constant 0.000000e+00 : f32
        %broadcast_in_dim3A_567 = vector.broadcast %jit3A_566 : f32 to vector<16xf32>
        %select_n3A_568 = arith.select %lt3A_563, %get3A_556, %broadcast_in_dim3A_567 : vector<16xf32>
        %add3A_569 = arith.addf %add3A_544, %select_n3A_568 : vector<16xf32>
        %jit3A_570 = arith.constant 0.000000e+00 : f32
        %broadcast_in_dim3A_571 = vector.broadcast %jit3A_570 : f32 to vector<16xf32>
        %select_n3A_572 = arith.select %lt3A_563, %get3A_562, %broadcast_in_dim3A_571 : vector<16xf32>
        %add3A_573 = arith.addf %add3A_548, %select_n3A_572 : vector<16xf32>
        %add3A_574 = arith.constant 6 : i32
        %add3A_575 = arith.addi %mul3A_423, %add3A_574 : i32
        %get3A_576 = arith.constant 0 : i32
        %get3A_577 = arith.index_cast %get3A_576 : i32 to index
        %get3A_578 = arith.index_cast %add3A_575 : i32 to index
        %get3A_579 = arith.constant 0 : index
        %get3A_580 = tpu.vector_load %arg7[%get3A_577, %get3A_578, %get3A_579] {strides = array<i32>} : memref<2x128x128xf32, #tpu.memory_space<vmem>>, vector<1x1x16xf32>,
        %get3A_581 = vector.shape_cast %get3A_580 : vector<1x1x16xf32> to vector<16xf32>
        %get3A_582 = arith.constant 0 : i32
        %get3A_583 = arith.index_cast %get3A_582 : i32 to index
        %get3A_584 = arith.index_cast %add3A_575 : i32 to index
        %get3A_585 = arith.constant 16 : index
        %get3A_586 = tpu.vector_load %arg7[%get3A_583, %get3A_584, %get3A_585] {strides = array<i32>} : memref<2x128x128xf32, #tpu.memory_space<vmem>>, vector<1x1x16xf32>,
        %get3A_587 = vector.shape_cast %get3A_586 : vector<1x1x16xf32> to vector<16xf32>
        %lt3A_588 = arith.cmpi slt, %add3A_575, %min3A_301 : i32
        %add3A_589 = arith.addf %add3A_564, %get3A_581 : vector<16xf32>
        %add3A_590 = arith.addf %add3A_565, %get3A_587 : vector<16xf32>
        %jit3A_591 = arith.constant 0.000000e+00 : f32
        %broadcast_in_dim3A_592 = vector.broadcast %jit3A_591 : f32 to vector<16xf32>
        %select_n3A_593 = arith.select %lt3A_588, %get3A_581, %broadcast_in_dim3A_592 : vector<16xf32>
        %add3A_594 = arith.addf %add3A_569, %select_n3A_593 : vector<16xf32>
        %jit3A_595 = arith.constant 0.000000e+00 : f32
        %broadcast_in_dim3A_596 = vector.broadcast %jit3A_595 : f32 to vector<16xf32>
        %select_n3A_597 = arith.select %lt3A_588, %get3A_587, %broadcast_in_dim3A_596 : vector<16xf32>
        %add3A_598 = arith.addf %add3A_573, %select_n3A_597 : vector<16xf32>
        %add3A_599 = arith.constant 7 : i32
        %add3A_600 = arith.addi %mul3A_423, %add3A_599 : i32
        %get3A_601 = arith.constant 0 : i32
        %get3A_602 = arith.index_cast %get3A_601 : i32 to index
        %get3A_603 = arith.index_cast %add3A_600 : i32 to index
        %get3A_604 = arith.constant 0 : index
        %get3A_605 = tpu.vector_load %arg7[%get3A_602, %get3A_603, %get3A_604] {strides = array<i32>} : memref<2x128x128xf32, #tpu.memory_space<vmem>>, vector<1x1x16xf32>,
        %get3A_606 = vector.shape_cast %get3A_605 : vector<1x1x16xf32> to vector<16xf32>
        %get3A_607 = arith.constant 0 : i32
        %get3A_608 = arith.index_cast %get3A_607 : i32 to index
        %get3A_609 = arith.index_cast %add3A_600 : i32 to index
        %get3A_610 = arith.constant 16 : index
        %get3A_611 = tpu.vector_load %arg7[%get3A_608, %get3A_609, %get3A_610] {strides = array<i32>} : memref<2x128x128xf32, #tpu.memory_space<vmem>>, vector<1x1x16xf32>,
        %get3A_612 = vector.shape_cast %get3A_611 : vector<1x1x16xf32> to vector<16xf32>
        %lt3A_613 = arith.cmpi slt, %add3A_600, %min3A_301 : i32
        %add3A_614 = arith.addf %add3A_589, %get3A_606 : vector<16xf32>
        %add3A_615 = arith.addf %add3A_590, %get3A_612 : vector<16xf32>
        %jit3A_616 = arith.constant 0.000000e+00 : f32
        %broadcast_in_dim3A_617 = vector.broadcast %jit3A_616 : f32 to vector<16xf32>
        %select_n3A_618 = arith.select %lt3A_613, %get3A_606, %broadcast_in_dim3A_617 : vector<16xf32>
        %add3A_619 = arith.addf %add3A_594, %select_n3A_618 : vector<16xf32>
        %jit3A_620 = arith.constant 0.000000e+00 : f32
        %broadcast_in_dim3A_621 = vector.broadcast %jit3A_620 : f32 to vector<16xf32>
        %select_n3A_622 = arith.select %lt3A_613, %get3A_612, %broadcast_in_dim3A_621 : vector<16xf32>
        %add3A_623 = arith.addf %add3A_598, %select_n3A_622 : vector<16xf32>
        scf.yield %add3A_614, %add3A_615, %add3A_619, %add3A_623 : vector<16xf32>, vector<16xf32>, vector<16xf32>, vector<16xf32>
      }
      %scan3A_307 = arith.constant 16 : i32
      %get3A_308 = arith.index_cast %select_n3A : i32 to index
      %get3A_309 = arith.constant 0 : index
      %get3A_310 = tpu.vector_load %arg8[%get3A_308, %get3A_309] {strides = array<i32>} : memref<32x32xf32, #tpu.memory_space<vmem>>, vector<1x16xf32>,
      %get3A_311 = vector.shape_cast %get3A_310 : vector<1x16xf32> to vector<16xf32>
      %add3A_312 = arith.addf %get3A_311, %scan3A_306#2 : vector<16xf32>
      %swap3A_313 = arith.index_cast %select_n3A : i32 to index
      %swap3A_314 = arith.constant 0 : index
      %swap3A_315 = tpu.vector_load %arg8[%swap3A_313, %swap3A_314] {strides = array<i32>} : memref<32x32xf32, #tpu.memory_space<vmem>>, vector<1x16xf32>,
      %swap3A_316 = vector.shape_cast %swap3A_315 : vector<1x16xf32> to vector<16xf32>
      %swap3A_317 = vector.shape_cast %add3A_312 : vector<16xf32> to vector<1x16xf32>
      tpu.vector_store %arg8[%swap3A_313, %swap3A_314], %swap3A_317 {strides = array<i32>} : memref<32x32xf32, #tpu.memory_space<vmem>>, vector<1x16xf32>,
      %get3A_318 = arith.index_cast %select_n3A : i32 to index
      %get3A_319 = arith.constant 16 : index
      %get3A_320 = tpu.vector_load %arg8[%get3A_318, %get3A_319] {strides = array<i32>} : memref<32x32xf32, #tpu.memory_space<vmem>>, vector<1x16xf32>,
      %get3A_321 = vector.shape_cast %get3A_320 : vector<1x16xf32> to vector<16xf32>
      %add3A_322 = arith.addf %get3A_321, %scan3A_306#3 : vector<16xf32>
      %swap3A_323 = arith.index_cast %select_n3A : i32 to index
      %swap3A_324 = arith.constant 16 : index
      %swap3A_325 = tpu.vector_load %arg8[%swap3A_323, %swap3A_324] {strides = array<i32>} : memref<32x32xf32, #tpu.memory_space<vmem>>, vector<1x16xf32>,
      %swap3A_326 = vector.shape_cast %swap3A_325 : vector<1x16xf32> to vector<16xf32>
      %swap3A_327 = vector.shape_cast %add3A_322 : vector<16xf32> to vector<1x16xf32>
      tpu.vector_store %arg8[%swap3A_323, %swap3A_324], %swap3A_327 {strides = array<i32>} : memref<32x32xf32, #tpu.memory_space<vmem>>, vector<1x16xf32>,
      %lt3A = arith.constant 128 : i32
      %lt3A_328 = arith.cmpi slt, %min3A_301, %lt3A : i32
      %convert_element_type3A = arith.extui %lt3A_328 : i1 to i32
      %cond3A = arith.constant 0 : i32
      %cond3A_329 = arith.cmpi ne, %convert_element_type3A, %cond3A : i32
      scf.if %cond3A_329 {
        %add3A_417 = arith.constant 1 : i32
        %add3A_418 = arith.addi %select_n3A, %add3A_417 : i32
        %get3A_419 = arith.index_cast %add3A_418 : i32 to index
        %get3A_420 = arith.constant 0 : index
        %get3A_421 = tpu.vector_load %arg8[%get3A_419, %get3A_420] {strides = array<i32>} : memref<32x32xf32, #tpu.memory_space<vmem>>, vector<1x16xf32>,
        %get3A_422 = vector.shape_cast %get3A_421 : vector<1x16xf32> to vector<16xf32>
        %sub3A_423 = arith.subf %scan3A_306#0, %scan3A_306#2 : vector<16xf32>
        %add3A_424 = arith.addf %get3A_422, %sub3A_423 : vector<16xf32>
        %add3A_425 = arith.constant 1 : i32
        %add3A_426 = arith.addi %select_n3A, %add3A_425 : i32
        %swap3A_427 = arith.index_cast %add3A_426 : i32 to index
        %swap3A_428 = arith.constant 0 : index
        %swap3A_429 = tpu.vector_load %arg8[%swap3A_427, %swap3A_428] {strides = array<i32>} : memref<32x32xf32, #tpu.memory_space<vmem>>, vector<1x16xf32>,
        %swap3A_430 = vector.shape_cast %swap3A_429 : vector<1x16xf32> to vector<16xf32>
        %swap3A_431 = vector.shape_cast %add3A_424 : vector<16xf32> to vector<1x16xf32>
        tpu.vector_store %arg8[%swap3A_427, %swap3A_428], %swap3A_431 {strides = array<i32>} : memref<32x32xf32, #tpu.memory_space<vmem>>, vector<1x16xf32>,
        %add3A_432 = arith.constant 1 : i32
        %add3A_433 = arith.addi %select_n3A, %add3A_432 : i32
        %get3A_434 = arith.index_cast %add3A_433 : i32 to index
        %get3A_435 = arith.constant 16 : index
        %get3A_436 = tpu.vector_load %arg8[%get3A_434, %get3A_435] {strides = array<i32>} : memref<32x32xf32, #tpu.memory_space<vmem>>, vector<1x16xf32>,
        %get3A_437 = vector.shape_cast %get3A_436 : vector<1x16xf32> to vector<16xf32>
        %sub3A_438 = arith.subf %scan3A_306#1, %scan3A_306#3 : vector<16xf32>
        %add3A_439 = arith.addf %get3A_437, %sub3A_438 : vector<16xf32>
        %add3A_440 = arith.constant 1 : i32
        %add3A_441 = arith.addi %select_n3A, %add3A_440 : i32
        %swap3A_442 = arith.index_cast %add3A_441 : i32 to index
        %swap3A_443 = arith.constant 16 : index
        %swap3A_444 = tpu.vector_load %arg8[%swap3A_442, %swap3A_443] {strides = array<i32>} : memref<32x32xf32, #tpu.memory_space<vmem>>, vector<1x16xf32>,
        %swap3A_445 = vector.shape_cast %swap3A_444 : vector<1x16xf32> to vector<16xf32>
        %swap3A_446 = vector.shape_cast %add3A_439 : vector<16xf32> to vector<1x16xf32>
        tpu.vector_store %arg8[%swap3A_442, %swap3A_443], %swap3A_446 {strides = array<i32>} : memref<32x32xf32, #tpu.memory_space<vmem>>, vector<1x16xf32>,
      } else {
      }
      %add3A_330 = arith.constant 2 : i32
      %add3A_331 = arith.addi %mul3A_146, %add3A_330 : i32
      %lt3A_332 = arith.constant 50 : i32
      %lt3A_333 = arith.cmpi slt, %add3A_331, %lt3A_332 : i32
      %convert_element_type3A_334 = arith.extui %lt3A_333 : i1 to i32
      %cond3A_335 = arith.constant 0 : i32
      %cond3A_336 = arith.cmpi ne, %convert_element_type3A_334, %cond3A_335 : i32
      scf.if %cond3A_336 {
        %add3A_417 = arith.constant 2 : i32
        %add3A_418 = arith.addi %mul3A_146, %add3A_417 : i32
        %get3A_419 = arith.index_cast %add3A_418 : i32 to index
        %get3A_420 = arith.constant 0 : index
        %get3A_421 = tpu.vector_load %arg5[%get3A_419, %get3A_420] {strides = array<i32>} : memref<50x128xi32, #tpu.memory_space<vmem>>, vector<1x16xi32>,
        %get3A_422 = vector.shape_cast %get3A_421 : vector<1x16xi32> to vector<16xi32>
        %shift_right_arithmetic3A_423 = arith.constant 2 : i32
        %shift_right_arithmetic3A_424 = vector.broadcast %shift_right_arithmetic3A_423 : i32 to vector<16xi32>
        %shift_right_arithmetic3A_425 = arith.shrsi %get3A_422, %shift_right_arithmetic3A_424 : vector<16xi32>
        %swap3A_426 = arith.constant 0 : i32
        %swap3A_427 = arith.index_cast %swap3A_426 : i32 to index
        %swap3A_428 = arith.constant 0 : index
        %swap3A_429 = tpu.vector_load %arg6[%swap3A_427, %swap3A_428] {strides = array<i32>} : memref<2x128xi32, #tpu.memory_space<vmem>>, vector<1x16xi32>,
        %swap3A_430 = vector.shape_cast %swap3A_429 : vector<1x16xi32> to vector<16xi32>
        %swap3A_431 = vector.shape_cast %shift_right_arithmetic3A_425 : vector<16xi32> to vector<1x16xi32>
        tpu.vector_store %arg6[%swap3A_427, %swap3A_428], %swap3A_431 {strides = array<i32>} : memref<2x128xi32, #tpu.memory_space<vmem>>, vector<1x16xi32>,
        %get3A_432 = arith.index_cast %add3A_418 : i32 to index
        %get3A_433 = arith.constant 16 : index
        %get3A_434 = tpu.vector_load %arg5[%get3A_432, %get3A_433] {strides = array<i32>} : memref<50x128xi32, #tpu.memory_space<vmem>>, vector<1x16xi32>,
        %get3A_435 = vector.shape_cast %get3A_434 : vector<1x16xi32> to vector<16xi32>
        %shift_right_arithmetic3A_436 = arith.constant 2 : i32
        %shift_right_arithmetic3A_437 = vector.broadcast %shift_right_arithmetic3A_436 : i32 to vector<16xi32>
        %shift_right_arithmetic3A_438 = arith.shrsi %get3A_435, %shift_right_arithmetic3A_437 : vector<16xi32>
        %swap3A_439 = arith.constant 0 : i32
        %swap3A_440 = arith.index_cast %swap3A_439 : i32 to index
        %swap3A_441 = arith.constant 16 : index
        %swap3A_442 = tpu.vector_load %arg6[%swap3A_440, %swap3A_441] {strides = array<i32>} : memref<2x128xi32, #tpu.memory_space<vmem>>, vector<1x16xi32>,
        %swap3A_443 = vector.shape_cast %swap3A_442 : vector<1x16xi32> to vector<16xi32>
        %swap3A_444 = vector.shape_cast %shift_right_arithmetic3A_438 : vector<16xi32> to vector<1x16xi32>
        tpu.vector_store %arg6[%swap3A_440, %swap3A_441], %swap3A_444 {strides = array<i32>} : memref<2x128xi32, #tpu.memory_space<vmem>>, vector<1x16xi32>,
        %get3A_445 = arith.index_cast %add3A_418 : i32 to index
        %get3A_446 = arith.constant 32 : index
        %get3A_447 = tpu.vector_load %arg5[%get3A_445, %get3A_446] {strides = array<i32>} : memref<50x128xi32, #tpu.memory_space<vmem>>, vector<1x16xi32>,
        %get3A_448 = vector.shape_cast %get3A_447 : vector<1x16xi32> to vector<16xi32>
        %shift_right_arithmetic3A_449 = arith.constant 2 : i32
        %shift_right_arithmetic3A_450 = vector.broadcast %shift_right_arithmetic3A_449 : i32 to vector<16xi32>
        %shift_right_arithmetic3A_451 = arith.shrsi %get3A_448, %shift_right_arithmetic3A_450 : vector<16xi32>
        %swap3A_452 = arith.constant 0 : i32
        %swap3A_453 = arith.index_cast %swap3A_452 : i32 to index
        %swap3A_454 = arith.constant 32 : index
        %swap3A_455 = tpu.vector_load %arg6[%swap3A_453, %swap3A_454] {strides = array<i32>} : memref<2x128xi32, #tpu.memory_space<vmem>>, vector<1x16xi32>,
        %swap3A_456 = vector.shape_cast %swap3A_455 : vector<1x16xi32> to vector<16xi32>
        %swap3A_457 = vector.shape_cast %shift_right_arithmetic3A_451 : vector<16xi32> to vector<1x16xi32>
        tpu.vector_store %arg6[%swap3A_453, %swap3A_454], %swap3A_457 {strides = array<i32>} : memref<2x128xi32, #tpu.memory_space<vmem>>, vector<1x16xi32>,
        %get3A_458 = arith.index_cast %add3A_418 : i32 to index
        %get3A_459 = arith.constant 48 : index
        %get3A_460 = tpu.vector_load %arg5[%get3A_458, %get3A_459] {strides = array<i32>} : memref<50x128xi32, #tpu.memory_space<vmem>>, vector<1x16xi32>,
        %get3A_461 = vector.shape_cast %get3A_460 : vector<1x16xi32> to vector<16xi32>
        %shift_right_arithmetic3A_462 = arith.constant 2 : i32
        %shift_right_arithmetic3A_463 = vector.broadcast %shift_right_arithmetic3A_462 : i32 to vector<16xi32>
        %shift_right_arithmetic3A_464 = arith.shrsi %get3A_461, %shift_right_arithmetic3A_463 : vector<16xi32>
        %swap3A_465 = arith.constant 0 : i32
        %swap3A_466 = arith.index_cast %swap3A_465 : i32 to index
        %swap3A_467 = arith.constant 48 : index
        %swap3A_468 = tpu.vector_load %arg6[%swap3A_466, %swap3A_467] {strides = array<i32>} : memref<2x128xi32, #tpu.memory_space<vmem>>, vector<1x16xi32>,
        %swap3A_469 = vector.shape_cast %swap3A_468 : vector<1x16xi32> to vector<16xi32>
        %swap3A_470 = vector.shape_cast %shift_right_arithmetic3A_464 : vector<16xi32> to vector<1x16xi32>
        tpu.vector_store %arg6[%swap3A_466, %swap3A_467], %swap3A_470 {strides = array<i32>} : memref<2x128xi32, #tpu.memory_space<vmem>>, vector<1x16xi32>,
        %get3A_471 = arith.index_cast %add3A_418 : i32 to index
        %get3A_472 = arith.constant 64 : index
        %get3A_473 = tpu.vector_load %arg5[%get3A_471, %get3A_472] {strides = array<i32>} : memref<50x128xi32, #tpu.memory_space<vmem>>, vector<1x16xi32>,
        %get3A_474 = vector.shape_cast %get3A_473 : vector<1x16xi32> to vector<16xi32>
        %shift_right_arithmetic3A_475 = arith.constant 2 : i32
        %shift_right_arithmetic3A_476 = vector.broadcast %shift_right_arithmetic3A_475 : i32 to vector<16xi32>
        %shift_right_arithmetic3A_477 = arith.shrsi %get3A_474, %shift_right_arithmetic3A_476 : vector<16xi32>
        %swap3A_478 = arith.constant 0 : i32
        %swap3A_479 = arith.index_cast %swap3A_478 : i32 to index
        %swap3A_480 = arith.constant 64 : index
        %swap3A_481 = tpu.vector_load %arg6[%swap3A_479, %swap3A_480] {strides = array<i32>} : memref<2x128xi32, #tpu.memory_space<vmem>>, vector<1x16xi32>,
        %swap3A_482 = vector.shape_cast %swap3A_481 : vector<1x16xi32> to vector<16xi32>
        %swap3A_483 = vector.shape_cast %shift_right_arithmetic3A_477 : vector<16xi32> to vector<1x16xi32>
        tpu.vector_store %arg6[%swap3A_479, %swap3A_480], %swap3A_483 {strides = array<i32>} : memref<2x128xi32, #tpu.memory_space<vmem>>, vector<1x16xi32>,
        %get3A_484 = arith.index_cast %add3A_418 : i32 to index
        %get3A_485 = arith.constant 80 : index
        %get3A_486 = tpu.vector_load %arg5[%get3A_484, %get3A_485] {strides = array<i32>} : memref<50x128xi32, #tpu.memory_space<vmem>>, vector<1x16xi32>,
        %get3A_487 = vector.shape_cast %get3A_486 : vector<1x16xi32> to vector<16xi32>
        %shift_right_arithmetic3A_488 = arith.constant 2 : i32
        %shift_right_arithmetic3A_489 = vector.broadcast %shift_right_arithmetic3A_488 : i32 to vector<16xi32>
        %shift_right_arithmetic3A_490 = arith.shrsi %get3A_487, %shift_right_arithmetic3A_489 : vector<16xi32>
        %swap3A_491 = arith.constant 0 : i32
        %swap3A_492 = arith.index_cast %swap3A_491 : i32 to index
        %swap3A_493 = arith.constant 80 : index
        %swap3A_494 = tpu.vector_load %arg6[%swap3A_492, %swap3A_493] {strides = array<i32>} : memref<2x128xi32, #tpu.memory_space<vmem>>, vector<1x16xi32>,
        %swap3A_495 = vector.shape_cast %swap3A_494 : vector<1x16xi32> to vector<16xi32>
        %swap3A_496 = vector.shape_cast %shift_right_arithmetic3A_490 : vector<16xi32> to vector<1x16xi32>
        tpu.vector_store %arg6[%swap3A_492, %swap3A_493], %swap3A_496 {strides = array<i32>} : memref<2x128xi32, #tpu.memory_space<vmem>>, vector<1x16xi32>,
        %get3A_497 = arith.index_cast %add3A_418 : i32 to index
        %get3A_498 = arith.constant 96 : index
        %get3A_499 = tpu.vector_load %arg5[%get3A_497, %get3A_498] {strides = array<i32>} : memref<50x128xi32, #tpu.memory_space<vmem>>, vector<1x16xi32>,
        %get3A_500 = vector.shape_cast %get3A_499 : vector<1x16xi32> to vector<16xi32>
        %shift_right_arithmetic3A_501 = arith.constant 2 : i32
        %shift_right_arithmetic3A_502 = vector.broadcast %shift_right_arithmetic3A_501 : i32 to vector<16xi32>
        %shift_right_arithmetic3A_503 = arith.shrsi %get3A_500, %shift_right_arithmetic3A_502 : vector<16xi32>
        %swap3A_504 = arith.constant 0 : i32
        %swap3A_505 = arith.index_cast %swap3A_504 : i32 to index
        %swap3A_506 = arith.constant 96 : index
        %swap3A_507 = tpu.vector_load %arg6[%swap3A_505, %swap3A_506] {strides = array<i32>} : memref<2x128xi32, #tpu.memory_space<vmem>>, vector<1x16xi32>,
        %swap3A_508 = vector.shape_cast %swap3A_507 : vector<1x16xi32> to vector<16xi32>
        %swap3A_509 = vector.shape_cast %shift_right_arithmetic3A_503 : vector<16xi32> to vector<1x16xi32>
        tpu.vector_store %arg6[%swap3A_505, %swap3A_506], %swap3A_509 {strides = array<i32>} : memref<2x128xi32, #tpu.memory_space<vmem>>, vector<1x16xi32>,
        %get3A_510 = arith.index_cast %add3A_418 : i32 to index
        %get3A_511 = arith.constant 112 : index
        %get3A_512 = tpu.vector_load %arg5[%get3A_510, %get3A_511] {strides = array<i32>} : memref<50x128xi32, #tpu.memory_space<vmem>>, vector<1x16xi32>,
        %get3A_513 = vector.shape_cast %get3A_512 : vector<1x16xi32> to vector<16xi32>
        %shift_right_arithmetic3A_514 = arith.constant 2 : i32
        %shift_right_arithmetic3A_515 = vector.broadcast %shift_right_arithmetic3A_514 : i32 to vector<16xi32>
        %shift_right_arithmetic3A_516 = arith.shrsi %get3A_513, %shift_right_arithmetic3A_515 : vector<16xi32>
        %swap3A_517 = arith.constant 0 : i32
        %swap3A_518 = arith.index_cast %swap3A_517 : i32 to index
        %swap3A_519 = arith.constant 112 : index
        %swap3A_520 = tpu.vector_load %arg6[%swap3A_518, %swap3A_519] {strides = array<i32>} : memref<2x128xi32, #tpu.memory_space<vmem>>, vector<1x16xi32>,
        %swap3A_521 = vector.shape_cast %swap3A_520 : vector<1x16xi32> to vector<16xi32>
        %swap3A_522 = vector.shape_cast %shift_right_arithmetic3A_516 : vector<16xi32> to vector<1x16xi32>
        tpu.vector_store %arg6[%swap3A_518, %swap3A_519], %swap3A_522 {strides = array<i32>} : memref<2x128xi32, #tpu.memory_space<vmem>>, vector<1x16xi32>,
        %add3A_523 = arith.constant 2 : i32
        %add3A_524 = arith.addi %mul3A_146, %add3A_523 : i32
        %dma_start3A_525 = arith.constant 0 : i32
        %dma_start3A_526 = arith.constant 0 : i32
        %dma_start3A_527 = arith.constant 0 : i32
        %dma_start3A_528 = arith.constant 0 : i32
        %dma_start3A_529 = tpu.memref_slice %arg7[%dma_start3A_526, %dma_start3A_527, %dma_start3A_528] : memref<2x128x128xf32, #tpu.memory_space<vmem>> -> memref<1x128x128xf32, #tpu.memory_space<vmem>>
        %dma_start3A_530 = tpu.memref_squeeze %dma_start3A_529 : memref<1x128x128xf32, #tpu.memory_space<vmem>> -> memref<128x128xf32, #tpu.memory_space<vmem>>
        %dma_start3A_531 = arith.constant 0 : i32
        %dma_start3A_532 = tpu.memref_slice %arg6[%dma_start3A_525, %dma_start3A_531] : memref<2x128xi32, #tpu.memory_space<vmem>> -> memref<1x128xi32, #tpu.memory_space<vmem>>
        %dma_start3A_533 = tpu.memref_squeeze %dma_start3A_532 : memref<1x128xi32, #tpu.memory_space<vmem>> -> memref<128xi32, #tpu.memory_space<vmem>>
        %dma_start3A_534 = arith.constant 0 : i32
        %dma_start3A_535 = arith.constant 0 : i32
        %dma_start3A_536 = tpu.memref_slice %arg2[%dma_start3A_534, %dma_start3A_535] : memref<25000x128xf32, #tpu.memory_space<hbm>> -> memref<25000x128xf32, #tpu.memory_space<hbm>>
        tpu.enqueue_indirect_dma source(%dma_start3A_536 : memref<25000x128xf32, #tpu.memory_space<hbm>>) target(%dma_start3A_530 : memref<128x128xf32, #tpu.memory_space<vmem>>) offsets(%dma_start3A_533 : memref<128xi32, #tpu.memory_space<vmem>>) semaphore(%arg9 : memref<!tpu.dma_semaphore, #tpu.memory_space<semaphore_mem>>)
      } else {
      }
      %add3A_337 = arith.constant 1 : i32
      %add3A_338 = arith.addi %mul3A_146, %add3A_337 : i32
      %dma_wait3A_339 = arith.constant 1 : i32
      %dma_wait3A_340 = arith.constant 1 : i32
      %dma_wait3A_341 = arith.constant 0 : i32
      %dma_wait3A_342 = arith.constant 0 : i32
      %dma_wait3A_343 = tpu.memref_slice %arg7[%dma_wait3A_340, %dma_wait3A_341, %dma_wait3A_342] : memref<2x128x128xf32, #tpu.memory_space<vmem>> -> memref<1x128x128xf32, #tpu.memory_space<vmem>>
      %dma_wait3A_344 = tpu.memref_squeeze %dma_wait3A_343 : memref<1x128x128xf32, #tpu.memory_space<vmem>> -> memref<128x128xf32, #tpu.memory_space<vmem>>
      %dma_wait3A_345 = arith.constant 0 : i32
      %dma_wait3A_346 = tpu.memref_slice %arg6[%dma_wait3A_339, %dma_wait3A_345] : memref<2x128xi32, #tpu.memory_space<vmem>> -> memref<1x128xi32, #tpu.memory_space<vmem>>
      %dma_wait3A_347 = tpu.memref_squeeze %dma_wait3A_346 : memref<1x128xi32, #tpu.memory_space<vmem>> -> memref<128xi32, #tpu.memory_space<vmem>>
      %dma_wait3A_348 = arith.constant 0 : i32
      %dma_wait3A_349 = arith.constant 0 : i32
      %dma_wait3A_350 = tpu.memref_slice %arg2[%dma_wait3A_348, %dma_wait3A_349] : memref<25000x128xf32, #tpu.memory_space<hbm>> -> memref<25000x128xf32, #tpu.memory_space<hbm>>
      tpu.wait_indirect_dma semaphore(%arg10 : memref<!tpu.dma_semaphore, #tpu.memory_space<semaphore_mem>>) src(%dma_wait3A_350 : memref<25000x128xf32, #tpu.memory_space<hbm>>) dst(%dma_wait3A_344 : memref<128x128xf32, #tpu.memory_space<vmem>>)
      %add3A_351 = arith.constant 1 : i32
      %add3A_352 = arith.addi %mul3A_146, %add3A_351 : i32
      %mul3A_353 = arith.constant 128 : i32
      %mul3A_354 = arith.muli %add3A_352, %mul3A_353 : i32
      %jit3A_355 = arith.constant 200 : i32
      %div3A_356 = arith.divsi %mul3A_354, %jit3A_355 : i32
      %sign3A_357 = arith.constant 0 : i32
      %sign3A_358 = arith.cmpi sgt, %mul3A_354, %sign3A_357 : i32
      %sign3A_359 = arith.extui %sign3A_358 : i1 to i32
      %sign3A_360 = arith.constant 0 : i32
      %sign3A_361 = arith.cmpi slt, %mul3A_354, %sign3A_360 : i32
      %sign3A_362 = arith.extui %sign3A_361 : i1 to i32
      %sign3A_363 = arith.subi %sign3A_359, %sign3A_362 : i32
      %sign3A_364 = arith.constant 0 : i32
      %sign3A_365 = arith.cmpi sgt, %jit3A_355, %sign3A_364 : i32
      %sign3A_366 = arith.extui %sign3A_365 : i1 to i32
      %sign3A_367 = arith.constant 0 : i32
      %sign3A_368 = arith.cmpi slt, %jit3A_355, %sign3A_367 : i32
      %sign3A_369 = arith.extui %sign3A_368 : i1 to i32
      %sign3A_370 = arith.subi %sign3A_366, %sign3A_369 : i32
      %ne3A_371 = arith.cmpi ne, %sign3A_363, %sign3A_370 : i32
      %rem3A_372 = arith.remsi %mul3A_354, %jit3A_355 : i32
      %ne3A_373 = arith.constant 0 : i32
      %ne3A_374 = arith.cmpi ne, %rem3A_372, %ne3A_373 : i32
      %and3A_375 = arith.andi %ne3A_371, %ne3A_374 : i1
      %sub3A_376 = arith.constant 1 : i32
      %sub3A_377 = arith.subi %div3A_356, %sub3A_376 : i32
      %select_n3A_378 = arith.select %and3A_375, %sub3A_377, %div3A_356 : i32
      %add3A_379 = arith.constant 1 : i32
      %add3A_380 = arith.addi %select_n3A_378, %add3A_379 : i32
      %mul3A_381 = arith.constant 200 : i32
      %mul3A_382 = arith.muli %add3A_380, %mul3A_381 : i32
      %sub3A_383 = arith.subi %mul3A_382, %mul3A_354 : i32
      %min3A_384 = arith.constant 128 : i32
      %min3A_385 = arith.minsi %min3A_384, %sub3A_383 : i32
      %scan3A_386 = arith.constant 0 : i32
      %scan3A_387 = arith.constant 16 : i32
      %scan3A_388 = arith.addi %scan3A_386, %scan3A_387 : i32
      %scan3A_389 = arith.constant 1 : i32
      %scan3A_390:4 = scf.for %scan3A_417 = %scan3A_386 to %scan3A_388 step %scan3A_389 iter_args(%scan3A_418 = %broadcast_in_dim3A_3, %scan3A_419 = %broadcast_in_dim3A_3, %scan3A_420 = %broadcast_in_dim3A_3, %scan3A_421 = %broadcast_in_dim3A_3) -> (vector<16xf32>, vector<16xf32>, vector<16xf32>, vector<16xf32>)  : i32 {
        %mul3A_422 = arith.constant 8 : i32
        %mul3A_423 = arith.muli %scan3A_417, %mul3A_422 : i32
        %add3A_424 = arith.constant 0 : i32
        %add3A_425 = arith.addi %mul3A_423, %add3A_424 : i32
        %get3A_426 = arith.constant 1 : i32
        %get3A_427 = arith.index_cast %get3A_426 : i32 to index
        %get3A_428 = arith.index_cast %add3A_425 : i32 to index
        %get3A_429 = arith.constant 0 : index
        %get3A_430 = tpu.vector_load %arg7[%get3A_427, %get3A_428, %get3A_429] {strides = array<i32>} : memref<2x128x128xf32, #tpu.memory_space<vmem>>, vector<1x1x16xf32>,
        %get3A_431 = vector.shape_cast %get3A_430 : vector<1x1x16xf32> to vector<16xf32>
        %get3A_432 = arith.constant 1 : i32
        %get3A_433 = arith.index_cast %get3A_432 : i32 to index
        %get3A_434 = arith.index_cast %add3A_425 : i32 to index
        %get3A_435 = arith.constant 16 : index
        %get3A_436 = tpu.vector_load %arg7[%get3A_433, %get3A_434, %get3A_435] {strides = array<i32>} : memref<2x128x128xf32, #tpu.memory_space<vmem>>, vector<1x1x16xf32>,
        %get3A_437 = vector.shape_cast %get3A_436 : vector<1x1x16xf32> to vector<16xf32>
        %lt3A_438 = arith.cmpi slt, %add3A_425, %min3A_385 : i32
        %add3A_439 = arith.addf %scan3A_418, %get3A_431 : vector<16xf32>
        %add3A_440 = arith.addf %scan3A_419, %get3A_437 : vector<16xf32>
        %jit3A_441 = arith.constant 0.000000e+00 : f32
        %broadcast_in_dim3A_442 = vector.broadcast %jit3A_441 : f32 to vector<16xf32>
        %select_n3A_443 = arith.select %lt3A_438, %get3A_431, %broadcast_in_dim3A_442 : vector<16xf32>
        %add3A_444 = arith.addf %scan3A_420, %select_n3A_443 : vector<16xf32>
        %jit3A_445 = arith.constant 0.000000e+00 : f32
        %broadcast_in_dim3A_446 = vector.broadcast %jit3A_445 : f32 to vector<16xf32>
        %select_n3A_447 = arith.select %lt3A_438, %get3A_437, %broadcast_in_dim3A_446 : vector<16xf32>
        %add3A_448 = arith.addf %scan3A_421, %select_n3A_447 : vector<16xf32>
        %add3A_449 = arith.constant 1 : i32
        %add3A_450 = arith.addi %mul3A_423, %add3A_449 : i32
        %get3A_451 = arith.constant 1 : i32
        %get3A_452 = arith.index_cast %get3A_451 : i32 to index
        %get3A_453 = arith.index_cast %add3A_450 : i32 to index
        %get3A_454 = arith.constant 0 : index
        %get3A_455 = tpu.vector_load %arg7[%get3A_452, %get3A_453, %get3A_454] {strides = array<i32>} : memref<2x128x128xf32, #tpu.memory_space<vmem>>, vector<1x1x16xf32>,
        %get3A_456 = vector.shape_cast %get3A_455 : vector<1x1x16xf32> to vector<16xf32>
        %get3A_457 = arith.constant 1 : i32
        %get3A_458 = arith.index_cast %get3A_457 : i32 to index
        %get3A_459 = arith.index_cast %add3A_450 : i32 to index
        %get3A_460 = arith.constant 16 : index
        %get3A_461 = tpu.vector_load %arg7[%get3A_458, %get3A_459, %get3A_460] {strides = array<i32>} : memref<2x128x128xf32, #tpu.memory_space<vmem>>, vector<1x1x16xf32>,
        %get3A_462 = vector.shape_cast %get3A_461 : vector<1x1x16xf32> to vector<16xf32>
        %lt3A_463 = arith.cmpi slt, %add3A_450, %min3A_385 : i32
        %add3A_464 = arith.addf %add3A_439, %get3A_456 : vector<16xf32>
        %add3A_465 = arith.addf %add3A_440, %get3A_462 : vector<16xf32>
        %jit3A_466 = arith.constant 0.000000e+00 : f32
        %broadcast_in_dim3A_467 = vector.broadcast %jit3A_466 : f32 to vector<16xf32>
        %select_n3A_468 = arith.select %lt3A_463, %get3A_456, %broadcast_in_dim3A_467 : vector<16xf32>
        %add3A_469 = arith.addf %add3A_444, %select_n3A_468 : vector<16xf32>
        %jit3A_470 = arith.constant 0.000000e+00 : f32
        %broadcast_in_dim3A_471 = vector.broadcast %jit3A_470 : f32 to vector<16xf32>
        %select_n3A_472 = arith.select %lt3A_463, %get3A_462, %broadcast_in_dim3A_471 : vector<16xf32>
        %add3A_473 = arith.addf %add3A_448, %select_n3A_472 : vector<16xf32>
        %add3A_474 = arith.constant 2 : i32
        %add3A_475 = arith.addi %mul3A_423, %add3A_474 : i32
        %get3A_476 = arith.constant 1 : i32
        %get3A_477 = arith.index_cast %get3A_476 : i32 to index
        %get3A_478 = arith.index_cast %add3A_475 : i32 to index
        %get3A_479 = arith.constant 0 : index
        %get3A_480 = tpu.vector_load %arg7[%get3A_477, %get3A_478, %get3A_479] {strides = array<i32>} : memref<2x128x128xf32, #tpu.memory_space<vmem>>, vector<1x1x16xf32>,
        %get3A_481 = vector.shape_cast %get3A_480 : vector<1x1x16xf32> to vector<16xf32>
        %get3A_482 = arith.constant 1 : i32
        %get3A_483 = arith.index_cast %get3A_482 : i32 to index
        %get3A_484 = arith.index_cast %add3A_475 : i32 to index
        %get3A_485 = arith.constant 16 : index
        %get3A_486 = tpu.vector_load %arg7[%get3A_483, %get3A_484, %get3A_485] {strides = array<i32>} : memref<2x128x128xf32, #tpu.memory_space<vmem>>, vector<1x1x16xf32>,
        %get3A_487 = vector.shape_cast %get3A_486 : vector<1x1x16xf32> to vector<16xf32>
        %lt3A_488 = arith.cmpi slt, %add3A_475, %min3A_385 : i32
        %add3A_489 = arith.addf %add3A_464, %get3A_481 : vector<16xf32>
        %add3A_490 = arith.addf %add3A_465, %get3A_487 : vector<16xf32>
        %jit3A_491 = arith.constant 0.000000e+00 : f32
        %broadcast_in_dim3A_492 = vector.broadcast %jit3A_491 : f32 to vector<16xf32>
        %select_n3A_493 = arith.select %lt3A_488, %get3A_481, %broadcast_in_dim3A_492 : vector<16xf32>
        %add3A_494 = arith.addf %add3A_469, %select_n3A_493 : vector<16xf32>
        %jit3A_495 = arith.constant 0.000000e+00 : f32
        %broadcast_in_dim3A_496 = vector.broadcast %jit3A_495 : f32 to vector<16xf32>
        %select_n3A_497 = arith.select %lt3A_488, %get3A_487, %broadcast_in_dim3A_496 : vector<16xf32>
        %add3A_498 = arith.addf %add3A_473, %select_n3A_497 : vector<16xf32>
        %add3A_499 = arith.constant 3 : i32
        %add3A_500 = arith.addi %mul3A_423, %add3A_499 : i32
        %get3A_501 = arith.constant 1 : i32
        %get3A_502 = arith.index_cast %get3A_501 : i32 to index
        %get3A_503 = arith.index_cast %add3A_500 : i32 to index
        %get3A_504 = arith.constant 0 : index
        %get3A_505 = tpu.vector_load %arg7[%get3A_502, %get3A_503, %get3A_504] {strides = array<i32>} : memref<2x128x128xf32, #tpu.memory_space<vmem>>, vector<1x1x16xf32>,
        %get3A_506 = vector.shape_cast %get3A_505 : vector<1x1x16xf32> to vector<16xf32>
        %get3A_507 = arith.constant 1 : i32
        %get3A_508 = arith.index_cast %get3A_507 : i32 to index
        %get3A_509 = arith.index_cast %add3A_500 : i32 to index
        %get3A_510 = arith.constant 16 : index
        %get3A_511 = tpu.vector_load %arg7[%get3A_508, %get3A_509, %get3A_510] {strides = array<i32>} : memref<2x128x128xf32, #tpu.memory_space<vmem>>, vector<1x1x16xf32>,
        %get3A_512 = vector.shape_cast %get3A_511 : vector<1x1x16xf32> to vector<16xf32>
        %lt3A_513 = arith.cmpi slt, %add3A_500, %min3A_385 : i32
        %add3A_514 = arith.addf %add3A_489, %get3A_506 : vector<16xf32>
        %add3A_515 = arith.addf %add3A_490, %get3A_512 : vector<16xf32>
        %jit3A_516 = arith.constant 0.000000e+00 : f32
        %broadcast_in_dim3A_517 = vector.broadcast %jit3A_516 : f32 to vector<16xf32>
        %select_n3A_518 = arith.select %lt3A_513, %get3A_506, %broadcast_in_dim3A_517 : vector<16xf32>
        %add3A_519 = arith.addf %add3A_494, %select_n3A_518 : vector<16xf32>
        %jit3A_520 = arith.constant 0.000000e+00 : f32
        %broadcast_in_dim3A_521 = vector.broadcast %jit3A_520 : f32 to vector<16xf32>
        %select_n3A_522 = arith.select %lt3A_513, %get3A_512, %broadcast_in_dim3A_521 : vector<16xf32>
        %add3A_523 = arith.addf %add3A_498, %select_n3A_522 : vector<16xf32>
        %add3A_524 = arith.constant 4 : i32
        %add3A_525 = arith.addi %mul3A_423, %add3A_524 : i32
        %get3A_526 = arith.constant 1 : i32
        %get3A_527 = arith.index_cast %get3A_526 : i32 to index
        %get3A_528 = arith.index_cast %add3A_525 : i32 to index
        %get3A_529 = arith.constant 0 : index
        %get3A_530 = tpu.vector_load %arg7[%get3A_527, %get3A_528, %get3A_529] {strides = array<i32>} : memref<2x128x128xf32, #tpu.memory_space<vmem>>, vector<1x1x16xf32>,
        %get3A_531 = vector.shape_cast %get3A_530 : vector<1x1x16xf32> to vector<16xf32>
        %get3A_532 = arith.constant 1 : i32
        %get3A_533 = arith.index_cast %get3A_532 : i32 to index
        %get3A_534 = arith.index_cast %add3A_525 : i32 to index
        %get3A_535 = arith.constant 16 : index
        %get3A_536 = tpu.vector_load %arg7[%get3A_533, %get3A_534, %get3A_535] {strides = array<i32>} : memref<2x128x128xf32, #tpu.memory_space<vmem>>, vector<1x1x16xf32>,
        %get3A_537 = vector.shape_cast %get3A_536 : vector<1x1x16xf32> to vector<16xf32>
        %lt3A_538 = arith.cmpi slt, %add3A_525, %min3A_385 : i32
        %add3A_539 = arith.addf %add3A_514, %get3A_531 : vector<16xf32>
        %add3A_540 = arith.addf %add3A_515, %get3A_537 : vector<16xf32>
        %jit3A_541 = arith.constant 0.000000e+00 : f32
        %broadcast_in_dim3A_542 = vector.broadcast %jit3A_541 : f32 to vector<16xf32>
        %select_n3A_543 = arith.select %lt3A_538, %get3A_531, %broadcast_in_dim3A_542 : vector<16xf32>
        %add3A_544 = arith.addf %add3A_519, %select_n3A_543 : vector<16xf32>
        %jit3A_545 = arith.constant 0.000000e+00 : f32
        %broadcast_in_dim3A_546 = vector.broadcast %jit3A_545 : f32 to vector<16xf32>
        %select_n3A_547 = arith.select %lt3A_538, %get3A_537, %broadcast_in_dim3A_546 : vector<16xf32>
        %add3A_548 = arith.addf %add3A_523, %select_n3A_547 : vector<16xf32>
        %add3A_549 = arith.constant 5 : i32
        %add3A_550 = arith.addi %mul3A_423, %add3A_549 : i32
        %get3A_551 = arith.constant 1 : i32
        %get3A_552 = arith.index_cast %get3A_551 : i32 to index
        %get3A_553 = arith.index_cast %add3A_550 : i32 to index
        %get3A_554 = arith.constant 0 : index
        %get3A_555 = tpu.vector_load %arg7[%get3A_552, %get3A_553, %get3A_554] {strides = array<i32>} : memref<2x128x128xf32, #tpu.memory_space<vmem>>, vector<1x1x16xf32>,
        %get3A_556 = vector.shape_cast %get3A_555 : vector<1x1x16xf32> to vector<16xf32>
        %get3A_557 = arith.constant 1 : i32
        %get3A_558 = arith.index_cast %get3A_557 : i32 to index
        %get3A_559 = arith.index_cast %add3A_550 : i32 to index
        %get3A_560 = arith.constant 16 : index
        %get3A_561 = tpu.vector_load %arg7[%get3A_558, %get3A_559, %get3A_560] {strides = array<i32>} : memref<2x128x128xf32, #tpu.memory_space<vmem>>, vector<1x1x16xf32>,
        %get3A_562 = vector.shape_cast %get3A_561 : vector<1x1x16xf32> to vector<16xf32>
        %lt3A_563 = arith.cmpi slt, %add3A_550, %min3A_385 : i32
        %add3A_564 = arith.addf %add3A_539, %get3A_556 : vector<16xf32>
        %add3A_565 = arith.addf %add3A_540, %get3A_562 : vector<16xf32>
        %jit3A_566 = arith.constant 0.000000e+00 : f32
        %broadcast_in_dim3A_567 = vector.broadcast %jit3A_566 : f32 to vector<16xf32>
        %select_n3A_568 = arith.select %lt3A_563, %get3A_556, %broadcast_in_dim3A_567 : vector<16xf32>
        %add3A_569 = arith.addf %add3A_544, %select_n3A_568 : vector<16xf32>
        %jit3A_570 = arith.constant 0.000000e+00 : f32
        %broadcast_in_dim3A_571 = vector.broadcast %jit3A_570 : f32 to vector<16xf32>
        %select_n3A_572 = arith.select %lt3A_563, %get3A_562, %broadcast_in_dim3A_571 : vector<16xf32>
        %add3A_573 = arith.addf %add3A_548, %select_n3A_572 : vector<16xf32>
        %add3A_574 = arith.constant 6 : i32
        %add3A_575 = arith.addi %mul3A_423, %add3A_574 : i32
        %get3A_576 = arith.constant 1 : i32
        %get3A_577 = arith.index_cast %get3A_576 : i32 to index
        %get3A_578 = arith.index_cast %add3A_575 : i32 to index
        %get3A_579 = arith.constant 0 : index
        %get3A_580 = tpu.vector_load %arg7[%get3A_577, %get3A_578, %get3A_579] {strides = array<i32>} : memref<2x128x128xf32, #tpu.memory_space<vmem>>, vector<1x1x16xf32>,
        %get3A_581 = vector.shape_cast %get3A_580 : vector<1x1x16xf32> to vector<16xf32>
        %get3A_582 = arith.constant 1 : i32
        %get3A_583 = arith.index_cast %get3A_582 : i32 to index
        %get3A_584 = arith.index_cast %add3A_575 : i32 to index
        %get3A_585 = arith.constant 16 : index
        %get3A_586 = tpu.vector_load %arg7[%get3A_583, %get3A_584, %get3A_585] {strides = array<i32>} : memref<2x128x128xf32, #tpu.memory_space<vmem>>, vector<1x1x16xf32>,
        %get3A_587 = vector.shape_cast %get3A_586 : vector<1x1x16xf32> to vector<16xf32>
        %lt3A_588 = arith.cmpi slt, %add3A_575, %min3A_385 : i32
        %add3A_589 = arith.addf %add3A_564, %get3A_581 : vector<16xf32>
        %add3A_590 = arith.addf %add3A_565, %get3A_587 : vector<16xf32>
        %jit3A_591 = arith.constant 0.000000e+00 : f32
        %broadcast_in_dim3A_592 = vector.broadcast %jit3A_591 : f32 to vector<16xf32>
        %select_n3A_593 = arith.select %lt3A_588, %get3A_581, %broadcast_in_dim3A_592 : vector<16xf32>
        %add3A_594 = arith.addf %add3A_569, %select_n3A_593 : vector<16xf32>
        %jit3A_595 = arith.constant 0.000000e+00 : f32
        %broadcast_in_dim3A_596 = vector.broadcast %jit3A_595 : f32 to vector<16xf32>
        %select_n3A_597 = arith.select %lt3A_588, %get3A_587, %broadcast_in_dim3A_596 : vector<16xf32>
        %add3A_598 = arith.addf %add3A_573, %select_n3A_597 : vector<16xf32>
        %add3A_599 = arith.constant 7 : i32
        %add3A_600 = arith.addi %mul3A_423, %add3A_599 : i32
        %get3A_601 = arith.constant 1 : i32
        %get3A_602 = arith.index_cast %get3A_601 : i32 to index
        %get3A_603 = arith.index_cast %add3A_600 : i32 to index
        %get3A_604 = arith.constant 0 : index
        %get3A_605 = tpu.vector_load %arg7[%get3A_602, %get3A_603, %get3A_604] {strides = array<i32>} : memref<2x128x128xf32, #tpu.memory_space<vmem>>, vector<1x1x16xf32>,
        %get3A_606 = vector.shape_cast %get3A_605 : vector<1x1x16xf32> to vector<16xf32>
        %get3A_607 = arith.constant 1 : i32
        %get3A_608 = arith.index_cast %get3A_607 : i32 to index
        %get3A_609 = arith.index_cast %add3A_600 : i32 to index
        %get3A_610 = arith.constant 16 : index
        %get3A_611 = tpu.vector_load %arg7[%get3A_608, %get3A_609, %get3A_610] {strides = array<i32>} : memref<2x128x128xf32, #tpu.memory_space<vmem>>, vector<1x1x16xf32>,
        %get3A_612 = vector.shape_cast %get3A_611 : vector<1x1x16xf32> to vector<16xf32>
        %lt3A_613 = arith.cmpi slt, %add3A_600, %min3A_385 : i32
        %add3A_614 = arith.addf %add3A_589, %get3A_606 : vector<16xf32>
        %add3A_615 = arith.addf %add3A_590, %get3A_612 : vector<16xf32>
        %jit3A_616 = arith.constant 0.000000e+00 : f32
        %broadcast_in_dim3A_617 = vector.broadcast %jit3A_616 : f32 to vector<16xf32>
        %select_n3A_618 = arith.select %lt3A_613, %get3A_606, %broadcast_in_dim3A_617 : vector<16xf32>
        %add3A_619 = arith.addf %add3A_594, %select_n3A_618 : vector<16xf32>
        %jit3A_620 = arith.constant 0.000000e+00 : f32
        %broadcast_in_dim3A_621 = vector.broadcast %jit3A_620 : f32 to vector<16xf32>
        %select_n3A_622 = arith.select %lt3A_613, %get3A_612, %broadcast_in_dim3A_621 : vector<16xf32>
        %add3A_623 = arith.addf %add3A_598, %select_n3A_622 : vector<16xf32>
        scf.yield %add3A_614, %add3A_615, %add3A_619, %add3A_623 : vector<16xf32>, vector<16xf32>, vector<16xf32>, vector<16xf32>
      }
      %scan3A_391 = arith.constant 16 : i32
      %get3A_392 = arith.index_cast %select_n3A_378 : i32 to index
      %get3A_393 = arith.constant 0 : index
      %get3A_394 = tpu.vector_load %arg8[%get3A_392, %get3A_393] {strides = array<i32>} : memref<32x32xf32, #tpu.memory_space<vmem>>, vector<1x16xf32>,
      %get3A_395 = vector.shape_cast %get3A_394 : vector<1x16xf32> to vector<16xf32>
      %add3A_396 = arith.addf %get3A_395, %scan3A_390#2 : vector<16xf32>
      %swap3A_397 = arith.index_cast %select_n3A_378 : i32 to index
      %swap3A_398 = arith.constant 0 : index
      %swap3A_399 = tpu.vector_load %arg8[%swap3A_397, %swap3A_398] {strides = array<i32>} : memref<32x32xf32, #tpu.memory_space<vmem>>, vector<1x16xf32>,
      %swap3A_400 = vector.shape_cast %swap3A_399 : vector<1x16xf32> to vector<16xf32>
      %swap3A_401 = vector.shape_cast %add3A_396 : vector<16xf32> to vector<1x16xf32>
      tpu.vector_store %arg8[%swap3A_397, %swap3A_398], %swap3A_401 {strides = array<i32>} : memref<32x32xf32, #tpu.memory_space<vmem>>, vector<1x16xf32>,
      %get3A_402 = arith.index_cast %select_n3A_378 : i32 to index
      %get3A_403 = arith.constant 16 : index
      %get3A_404 = tpu.vector_load %arg8[%get3A_402, %get3A_403] {strides = array<i32>} : memref<32x32xf32, #tpu.memory_space<vmem>>, vector<1x16xf32>,
      %get3A_405 = vector.shape_cast %get3A_404 : vector<1x16xf32> to vector<16xf32>
      %add3A_406 = arith.addf %get3A_405, %scan3A_390#3 : vector<16xf32>
      %swap3A_407 = arith.index_cast %select_n3A_378 : i32 to index
      %swap3A_408 = arith.constant 16 : index
      %swap3A_409 = tpu.vector_load %arg8[%swap3A_407, %swap3A_408] {strides = array<i32>} : memref<32x32xf32, #tpu.memory_space<vmem>>, vector<1x16xf32>,
      %swap3A_410 = vector.shape_cast %swap3A_409 : vector<1x16xf32> to vector<16xf32>
      %swap3A_411 = vector.shape_cast %add3A_406 : vector<16xf32> to vector<1x16xf32>
      tpu.vector_store %arg8[%swap3A_407, %swap3A_408], %swap3A_411 {strides = array<i32>} : memref<32x32xf32, #tpu.memory_space<vmem>>, vector<1x16xf32>,
      %lt3A_412 = arith.constant 128 : i32
      %lt3A_413 = arith.cmpi slt, %min3A_385, %lt3A_412 : i32
      %convert_element_type3A_414 = arith.extui %lt3A_413 : i1 to i32
      %cond3A_415 = arith.constant 0 : i32
      %cond3A_416 = arith.cmpi ne, %convert_element_type3A_414, %cond3A_415 : i32
      scf.if %cond3A_416 {
        %add3A_417 = arith.constant 1 : i32
        %add3A_418 = arith.addi %select_n3A_378, %add3A_417 : i32
        %get3A_419 = arith.index_cast %add3A_418 : i32 to index
        %get3A_420 = arith.constant 0 : index
        %get3A_421 = tpu.vector_load %arg8[%get3A_419, %get3A_420] {strides = array<i32>} : memref<32x32xf32, #tpu.memory_space<vmem>>, vector<1x16xf32>,
        %get3A_422 = vector.shape_cast %get3A_421 : vector<1x16xf32> to vector<16xf32>
        %sub3A_423 = arith.subf %scan3A_390#0, %scan3A_390#2 : vector<16xf32>
        %add3A_424 = arith.addf %get3A_422, %sub3A_423 : vector<16xf32>
        %add3A_425 = arith.constant 1 : i32
        %add3A_426 = arith.addi %select_n3A_378, %add3A_425 : i32
        %swap3A_427 = arith.index_cast %add3A_426 : i32 to index
        %swap3A_428 = arith.constant 0 : index
        %swap3A_429 = tpu.vector_load %arg8[%swap3A_427, %swap3A_428] {strides = array<i32>} : memref<32x32xf32, #tpu.memory_space<vmem>>, vector<1x16xf32>,
        %swap3A_430 = vector.shape_cast %swap3A_429 : vector<1x16xf32> to vector<16xf32>
        %swap3A_431 = vector.shape_cast %add3A_424 : vector<16xf32> to vector<1x16xf32>
        tpu.vector_store %arg8[%swap3A_427, %swap3A_428], %swap3A_431 {strides = array<i32>} : memref<32x32xf32, #tpu.memory_space<vmem>>, vector<1x16xf32>,
        %add3A_432 = arith.constant 1 : i32
        %add3A_433 = arith.addi %select_n3A_378, %add3A_432 : i32
        %get3A_434 = arith.index_cast %add3A_433 : i32 to index
        %get3A_435 = arith.constant 16 : index
        %get3A_436 = tpu.vector_load %arg8[%get3A_434, %get3A_435] {strides = array<i32>} : memref<32x32xf32, #tpu.memory_space<vmem>>, vector<1x16xf32>,
        %get3A_437 = vector.shape_cast %get3A_436 : vector<1x16xf32> to vector<16xf32>
        %sub3A_438 = arith.subf %scan3A_390#1, %scan3A_390#3 : vector<16xf32>
        %add3A_439 = arith.addf %get3A_437, %sub3A_438 : vector<16xf32>
        %add3A_440 = arith.constant 1 : i32
        %add3A_441 = arith.addi %select_n3A_378, %add3A_440 : i32
        %swap3A_442 = arith.index_cast %add3A_441 : i32 to index
        %swap3A_443 = arith.constant 16 : index
        %swap3A_444 = tpu.vector_load %arg8[%swap3A_442, %swap3A_443] {strides = array<i32>} : memref<32x32xf32, #tpu.memory_space<vmem>>, vector<1x16xf32>,
        %swap3A_445 = vector.shape_cast %swap3A_444 : vector<1x16xf32> to vector<16xf32>
        %swap3A_446 = vector.shape_cast %add3A_439 : vector<16xf32> to vector<1x16xf32>
        tpu.vector_store %arg8[%swap3A_442, %swap3A_443], %swap3A_446 {strides = array<i32>} : memref<32x32xf32, #tpu.memory_space<vmem>>, vector<1x16xf32>,
      } else {
      }
    }
    %scan3A_134 = arith.constant 25 : i32
    %scan3A_135 = arith.constant 0 : i32
    %scan3A_136 = arith.constant 5.000000e-03 : f32
    %scan3A_137 = arith.constant 0 : i32
    %scan3A_138 = arith.constant 32 : i32
    %scan3A_139 = arith.addi %scan3A_137, %scan3A_138 : i32
    %scan3A_140 = arith.constant 1 : i32
    scf.for %scan3A_144 = %scan3A_137 to %scan3A_139 step %scan3A_140  : i32 {
      %get3A_145 = arith.index_cast %scan3A_144 : i32 to index
      %get3A_146 = arith.constant 0 : index
      %get3A_147 = tpu.vector_load %arg8[%get3A_145, %get3A_146] {strides = array<i32>} : memref<32x32xf32, #tpu.memory_space<vmem>>, vector<1x16xf32>,
      %get3A_148 = vector.shape_cast %get3A_147 : vector<1x16xf32> to vector<16xf32>
      %mul3A_149 = vector.broadcast %scan3A_136 : f32 to vector<16xf32>
      %mul3A_150 = arith.mulf %get3A_148, %mul3A_149 : vector<16xf32>
      %swap3A_151 = arith.index_cast %scan3A_144 : i32 to index
      %swap3A_152 = arith.constant 0 : index
      %swap3A_153 = tpu.vector_load %arg8[%swap3A_151, %swap3A_152] {strides = array<i32>} : memref<32x32xf32, #tpu.memory_space<vmem>>, vector<1x16xf32>,
      %swap3A_154 = vector.shape_cast %swap3A_153 : vector<1x16xf32> to vector<16xf32>
      %swap3A_155 = vector.shape_cast %mul3A_150 : vector<16xf32> to vector<1x16xf32>
      tpu.vector_store %arg8[%swap3A_151, %swap3A_152], %swap3A_155 {strides = array<i32>} : memref<32x32xf32, #tpu.memory_space<vmem>>, vector<1x16xf32>,
      %get3A_156 = arith.index_cast %scan3A_144 : i32 to index
      %get3A_157 = arith.constant 16 : index
      %get3A_158 = tpu.vector_load %arg8[%get3A_156, %get3A_157] {strides = array<i32>} : memref<32x32xf32, #tpu.memory_space<vmem>>, vector<1x16xf32>,
      %get3A_159 = vector.shape_cast %get3A_158 : vector<1x16xf32> to vector<16xf32>
      %mul3A_160 = vector.broadcast %scan3A_136 : f32 to vector<16xf32>
      %mul3A_161 = arith.mulf %get3A_159, %mul3A_160 : vector<16xf32>
      %swap3A_162 = arith.index_cast %scan3A_144 : i32 to index
      %swap3A_163 = arith.constant 16 : index
      %swap3A_164 = tpu.vector_load %arg8[%swap3A_162, %swap3A_163] {strides = array<i32>} : memref<32x32xf32, #tpu.memory_space<vmem>>, vector<1x16xf32>,
      %swap3A_165 = vector.shape_cast %swap3A_164 : vector<1x16xf32> to vector<16xf32>
      %swap3A_166 = vector.shape_cast %mul3A_161 : vector<16xf32> to vector<1x16xf32>
      tpu.vector_store %arg8[%swap3A_162, %swap3A_163], %swap3A_166 {strides = array<i32>} : memref<32x32xf32, #tpu.memory_space<vmem>>, vector<1x16xf32>,
    }
    %scan3A_141 = arith.constant 32 : i32
    %mul3A_142 = arith.constant 32 : i32
    %mul3A_143 = arith.muli %add3A, %mul3A_142 : i32
    "tpu.region"() ({
      %run_scoped3A = tpu.sem_alloc : memref<!tpu.dma_semaphore, #tpu.memory_space<semaphore_mem>>
      %dma_start3A_144 = arith.constant 0 : i32
      %dma_start3A_145 = tpu.memref_slice %arg4[%mul3A_143, %dma_start3A_144] : memref<1024x32xf32, #tpu.memory_space<hbm>> -> memref<32x32xf32, #tpu.memory_space<hbm>>
      %dma_start3A_146 = arith.constant 0 : i32
      %dma_start3A_147 = tpu.memref_slice %arg4[%mul3A_143, %dma_start3A_146] : memref<1024x32xf32, #tpu.memory_space<hbm>> -> memref<32x32xf32, #tpu.memory_space<hbm>>
      tpu.enqueue_dma source(%arg8 : memref<32x32xf32, #tpu.memory_space<vmem>>) target(%dma_start3A_147 : memref<32x32xf32, #tpu.memory_space<hbm>>) target_semaphore(%run_scoped3A : memref<!tpu.dma_semaphore, #tpu.memory_space<semaphore_mem>>)
      %dma_wait3A = arith.constant 0 : i32
      %dma_wait3A_148 = tpu.memref_slice %arg4[%mul3A_143, %dma_wait3A] : memref<1024x32xf32, #tpu.memory_space<hbm>> -> memref<32x32xf32, #tpu.memory_space<hbm>>
      %dma_wait3A_149 = arith.constant 0 : i32
      %dma_wait3A_150 = tpu.memref_slice %arg4[%mul3A_143, %dma_wait3A_149] : memref<1024x32xf32, #tpu.memory_space<hbm>> -> memref<32x32xf32, #tpu.memory_space<hbm>>
      tpu.wait_dma2 semaphore(%run_scoped3A : memref<!tpu.dma_semaphore, #tpu.memory_space<semaphore_mem>>) src(%arg8 : memref<32x32xf32, #tpu.memory_space<vmem>>) dst(%dma_wait3A_150 : memref<32x32xf32, #tpu.memory_space<hbm>>)
      tpu.yield
    }) : () -> ()
    return
  }
}

module attributes {stable_mosaic.version = 14 : i64} {
  func.func @_tc_head_body(%arg0: i32, %arg1: i32, %arg2: memref<256x32xf32, #tpu.memory_space<vmem>>, %arg3: memref<32x8192xf32, #tpu.memory_space<vmem>>, %arg4: memref<1x8192xf32, #tpu.memory_space<vmem>>, %arg5: memref<256x1xi32, #tpu.memory_space<vmem>>, %arg6: memref<256x8192xf32, #tpu.memory_space<vmem>>, %arg7: memref<256x1xf32, #tpu.memory_space<vmem>>, %arg8: memref<256x1xf32, #tpu.memory_space<vmem>>, %arg9: memref<256x1xf32, #tpu.memory_space<vmem>>, %arg10: memref<256x1xf32, #tpu.memory_space<vmem>>) attributes {dimension_semantics = [#tpu.dimension_semantics<arbitrary>, #tpu.dimension_semantics<arbitrary>], iteration_bounds = array<i64: 4, 13>, scalar_prefetch = 0 : i64, scratch_operands = 3 : i64, tpu.core_type = #tpu.core_type<tc>, window_params = [{transform_indices = @transform_0, window_bounds = array<i64: 256, 32>}, {transform_indices = @transform_1, window_bounds = array<i64: 32, 8192>}, {transform_indices = @transform_2, window_bounds = array<i64: 1, 8192>}, {transform_indices = @transform_3, window_bounds = array<i64: 256, 1>}, {transform_indices = @transform_4, window_bounds = array<i64: 256, 8192>}, {transform_indices = @transform_5, window_bounds = array<i64: 256, 1>}]} {
    %get3A = arith.constant 0 : index
    %get3A_0 = arith.constant 0 : index
    %get3A_1 = vector.load %arg2[%get3A, %get3A_0] : memref<256x32xf32, #tpu.memory_space<vmem>>, vector<256x32xf32>
    %get3A_2 = arith.constant 0 : index
    %get3A_3 = arith.constant 0 : index
    %get3A_4 = vector.load %arg3[%get3A_2, %get3A_3] : memref<32x8192xf32, #tpu.memory_space<vmem>>, vector<32x8192xf32>
    %dot_general3A = arith.constant dense<0.000000e+00> : vector<256x8192xf32>
    %dot_general3A_5 = tpu.matmul %get3A_1, %get3A_4, %dot_general3A {dimension_numbers = #tpu.dot_dimension_numbers<[1], [0], [0], [1], [0, 0, 1, 1], [], []>, transpose_lhs_hint = false} : vector<256x32xf32>, vector<32x8192xf32>, vector<256x8192xf32> -> vector<256x8192xf32>
    %get3A_6 = arith.constant 0 : index
    %get3A_7 = arith.constant 0 : index
    %get3A_8 = vector.load %arg4[%get3A_6, %get3A_7] : memref<1x8192xf32, #tpu.memory_space<vmem>>, vector<1x8192xf32>
    %add3A = vector.broadcast %get3A_8 : vector<1x8192xf32> to vector<256x8192xf32>
    %add3A_9 = arith.addf %dot_general3A_5, %add3A : vector<256x8192xf32>
    %swap3A = arith.constant 0 : index
    %swap3A_10 = arith.constant 0 : index
    %swap3A_11 = vector.load %arg6[%swap3A, %swap3A_10] : memref<256x8192xf32, #tpu.memory_space<vmem>>, vector<256x8192xf32>
    tpu.vector_store %arg6[%swap3A, %swap3A_10], %add3A_9 {strides = array<i32>} : memref<256x8192xf32, #tpu.memory_space<vmem>>, vector<256x8192xf32>,
    %iota3A = tpu.iota {dimensions = array<i32: 1>} : vector<256x8192xi32>
    %mul3A = arith.constant 8192 : i32
    %mul3A_12 = arith.muli %arg1, %mul3A : i32
    %sub3A = arith.constant 100000 : i32
    %sub3A_13 = arith.subi %sub3A, %mul3A_12 : i32
    %lt3A = vector.broadcast %sub3A_13 : i32 to vector<256x8192xi32>
    %lt3A_14 = arith.cmpi slt, %iota3A, %lt3A : vector<256x8192xi32>
    %jit3A = arith.constant 0xFF800000 : f32
    %broadcast_in_dim3A = vector.broadcast %jit3A : f32 to vector<256x8192xf32>
    %select_n3A = arith.select %lt3A_14, %add3A_9, %broadcast_in_dim3A : vector<256x8192xi1>, vector<256x8192xf32>
    %reduce_max3A = arith.constant dense<0xFF800000> : vector<256xf32>
    %reduce_max3A_15 = vector.multi_reduction <maximumf>, %select_n3A, %reduce_max3A [1] : vector<256x8192xf32> to vector<256xf32>
    %broadcast_in_dim3A_16 = vector.shape_cast %reduce_max3A_15 : vector<256xf32> to vector<256x1xf32>
    %get3A_17 = arith.constant 0 : index
    %get3A_18 = arith.constant 0 : index
    %get3A_19 = vector.load %arg5[%get3A_17, %get3A_18] : memref<256x1xi32, #tpu.memory_space<vmem>>, vector<256x1xi32>
    %mul3A_20 = arith.constant 8192 : i32
    %mul3A_21 = arith.muli %arg1, %mul3A_20 : i32
    %sub3A_22 = vector.broadcast %mul3A_21 : i32 to vector<256x1xi32>
    %sub3A_23 = arith.subi %get3A_19, %sub3A_22 : vector<256x1xi32>
    %eq3A = vector.broadcast %sub3A_23 : vector<256x1xi32> to vector<256x8192xi32>
    %eq3A_24 = arith.cmpi eq, %iota3A, %eq3A : vector<256x8192xi32>
    %jit3A_25 = arith.constant 0.000000e+00 : f32
    %broadcast_in_dim3A_26 = vector.broadcast %jit3A_25 : f32 to vector<256x8192xf32>
    %select_n3A_27 = arith.select %eq3A_24, %add3A_9, %broadcast_in_dim3A_26 : vector<256x8192xi1>, vector<256x8192xf32>
    %reduce_sum3A = arith.constant dense<0.000000e+00> : vector<256xf32>
    %reduce_sum3A_28 = vector.multi_reduction <add>, %select_n3A_27, %reduce_sum3A [1] : vector<256x8192xf32> to vector<256xf32>
    %broadcast_in_dim3A_29 = vector.shape_cast %reduce_sum3A_28 : vector<256xf32> to vector<256x1xf32>
    %eq3A_30 = arith.constant 0 : i32
    %eq3A_31 = arith.cmpi eq, %arg1, %eq3A_30 : i32
    %convert_element_type3A = arith.extui %eq3A_31 : i1 to i32
    %cond3A = arith.constant 0 : i32
    %cond3A_32 = arith.cmpi ne, %convert_element_type3A, %cond3A : i32
    scf.if %cond3A_32 {
      %swap3A_42 = arith.constant 0 : index
      %swap3A_43 = arith.constant 0 : index
      %swap3A_44 = vector.load %arg8[%swap3A_42, %swap3A_43] : memref<256x1xf32, #tpu.memory_space<vmem>>, vector<256x1xf32>
      tpu.vector_store %arg8[%swap3A_42, %swap3A_43], %broadcast_in_dim3A_16 {strides = array<i32>} : memref<256x1xf32, #tpu.memory_space<vmem>>, vector<256x1xf32>,
      %sub3A_45 = vector.broadcast %broadcast_in_dim3A_16 : vector<256x1xf32> to vector<256x8192xf32>
      %sub3A_46 = arith.subf %select_n3A, %sub3A_45 : vector<256x8192xf32>
      %exp3A = math.exp %sub3A_46 : vector<256x8192xf32>
      %reduce_sum3A_47 = arith.constant dense<0.000000e+00> : vector<256xf32>
      %reduce_sum3A_48 = vector.multi_reduction <add>, %exp3A, %reduce_sum3A_47 [1] : vector<256x8192xf32> to vector<256xf32>
      %broadcast_in_dim3A_49 = vector.shape_cast %reduce_sum3A_48 : vector<256xf32> to vector<256x1xf32>
      %swap3A_50 = arith.constant 0 : index
      %swap3A_51 = arith.constant 0 : index
      %swap3A_52 = vector.load %arg9[%swap3A_50, %swap3A_51] : memref<256x1xf32, #tpu.memory_space<vmem>>, vector<256x1xf32>
      tpu.vector_store %arg9[%swap3A_50, %swap3A_51], %broadcast_in_dim3A_49 {strides = array<i32>} : memref<256x1xf32, #tpu.memory_space<vmem>>, vector<256x1xf32>,
      %swap3A_53 = arith.constant 0 : index
      %swap3A_54 = arith.constant 0 : index
      %swap3A_55 = vector.load %arg10[%swap3A_53, %swap3A_54] : memref<256x1xf32, #tpu.memory_space<vmem>>, vector<256x1xf32>
      tpu.vector_store %arg10[%swap3A_53, %swap3A_54], %broadcast_in_dim3A_29 {strides = array<i32>} : memref<256x1xf32, #tpu.memory_space<vmem>>, vector<256x1xf32>,
    } else {
    }
    %gt3A = arith.constant 0 : i32
    %gt3A_33 = arith.cmpi sgt, %arg1, %gt3A : i32
    %convert_element_type3A_34 = arith.extui %gt3A_33 : i1 to i32
    %cond3A_35 = arith.constant 0 : i32
    %cond3A_36 = arith.cmpi ne, %convert_element_type3A_34, %cond3A_35 : i32
    scf.if %cond3A_36 {
      %get3A_42 = arith.constant 0 : index
      %get3A_43 = arith.constant 0 : index
      %get3A_44 = vector.load %arg8[%get3A_42, %get3A_43] : memref<256x1xf32, #tpu.memory_space<vmem>>, vector<256x1xf32>
      %max3A = arith.maximumf %get3A_44, %broadcast_in_dim3A_16 : vector<256x1xf32>
      %get3A_45 = arith.constant 0 : index
      %get3A_46 = arith.constant 0 : index
      %get3A_47 = vector.load %arg9[%get3A_45, %get3A_46] : memref<256x1xf32, #tpu.memory_space<vmem>>, vector<256x1xf32>
      %sub3A_48 = arith.subf %get3A_44, %max3A : vector<256x1xf32>
      %exp3A = math.exp %sub3A_48 : vector<256x1xf32>
      %mul3A_49 = arith.mulf %get3A_47, %exp3A : vector<256x1xf32>
      %sub3A_50 = vector.broadcast %max3A : vector<256x1xf32> to vector<256x8192xf32>
      %sub3A_51 = arith.subf %select_n3A, %sub3A_50 : vector<256x8192xf32>
      %exp3A_52 = math.exp %sub3A_51 : vector<256x8192xf32>
      %reduce_sum3A_53 = arith.constant dense<0.000000e+00> : vector<256xf32>
      %reduce_sum3A_54 = vector.multi_reduction <add>, %exp3A_52, %reduce_sum3A_53 [1] : vector<256x8192xf32> to vector<256xf32>
      %broadcast_in_dim3A_55 = vector.shape_cast %reduce_sum3A_54 : vector<256xf32> to vector<256x1xf32>
      %add3A_56 = arith.addf %mul3A_49, %broadcast_in_dim3A_55 : vector<256x1xf32>
      %swap3A_57 = arith.constant 0 : index
      %swap3A_58 = arith.constant 0 : index
      %swap3A_59 = vector.load %arg9[%swap3A_57, %swap3A_58] : memref<256x1xf32, #tpu.memory_space<vmem>>, vector<256x1xf32>
      tpu.vector_store %arg9[%swap3A_57, %swap3A_58], %add3A_56 {strides = array<i32>} : memref<256x1xf32, #tpu.memory_space<vmem>>, vector<256x1xf32>,
      %swap3A_60 = arith.constant 0 : index
      %swap3A_61 = arith.constant 0 : index
      %swap3A_62 = vector.load %arg8[%swap3A_60, %swap3A_61] : memref<256x1xf32, #tpu.memory_space<vmem>>, vector<256x1xf32>
      tpu.vector_store %arg8[%swap3A_60, %swap3A_61], %max3A {strides = array<i32>} : memref<256x1xf32, #tpu.memory_space<vmem>>, vector<256x1xf32>,
      %get3A_63 = arith.constant 0 : index
      %get3A_64 = arith.constant 0 : index
      %get3A_65 = vector.load %arg10[%get3A_63, %get3A_64] : memref<256x1xf32, #tpu.memory_space<vmem>>, vector<256x1xf32>
      %add3A_66 = arith.addf %get3A_65, %broadcast_in_dim3A_29 : vector<256x1xf32>
      %swap3A_67 = arith.constant 0 : index
      %swap3A_68 = arith.constant 0 : index
      %swap3A_69 = vector.load %arg10[%swap3A_67, %swap3A_68] : memref<256x1xf32, #tpu.memory_space<vmem>>, vector<256x1xf32>
      tpu.vector_store %arg10[%swap3A_67, %swap3A_68], %add3A_66 {strides = array<i32>} : memref<256x1xf32, #tpu.memory_space<vmem>>, vector<256x1xf32>,
    } else {
    }
    %eq3A_37 = arith.constant 12 : i32
    %eq3A_38 = arith.cmpi eq, %arg1, %eq3A_37 : i32
    %convert_element_type3A_39 = arith.extui %eq3A_38 : i1 to i32
    %cond3A_40 = arith.constant 0 : i32
    %cond3A_41 = arith.cmpi ne, %convert_element_type3A_39, %cond3A_40 : i32
    scf.if %cond3A_41 {
      %get3A_42 = arith.constant 0 : index
      %get3A_43 = arith.constant 0 : index
      %get3A_44 = vector.load %arg10[%get3A_42, %get3A_43] : memref<256x1xf32, #tpu.memory_space<vmem>>, vector<256x1xf32>
      %get3A_45 = arith.constant 0 : index
      %get3A_46 = arith.constant 0 : index
      %get3A_47 = vector.load %arg8[%get3A_45, %get3A_46] : memref<256x1xf32, #tpu.memory_space<vmem>>, vector<256x1xf32>
      %sub3A_48 = arith.subf %get3A_44, %get3A_47 : vector<256x1xf32>
      %get3A_49 = arith.constant 0 : index
      %get3A_50 = arith.constant 0 : index
      %get3A_51 = vector.load %arg9[%get3A_49, %get3A_50] : memref<256x1xf32, #tpu.memory_space<vmem>>, vector<256x1xf32>
      %log3A = math.log %get3A_51 : vector<256x1xf32>
      %sub3A_52 = arith.subf %sub3A_48, %log3A : vector<256x1xf32>
      %swap3A_53 = arith.constant 0 : index
      %swap3A_54 = arith.constant 0 : index
      %swap3A_55 = vector.load %arg7[%swap3A_53, %swap3A_54] : memref<256x1xf32, #tpu.memory_space<vmem>>, vector<256x1xf32>
      tpu.vector_store %arg7[%swap3A_53, %swap3A_54], %sub3A_52 {strides = array<i32>} : memref<256x1xf32, #tpu.memory_space<vmem>>, vector<256x1xf32>,
    } else {
    }
    return
  }
  func.func @transform_0(%arg0: i32, %arg1: i32) -> (i32, i32) {
    %c0_i32 = arith.constant 0 : i32
    %c0_i32_0 = arith.constant 0 : i32
    return %arg0, %c0_i32 : i32, i32
  }
  func.func @transform_1(%arg0: i32, %arg1: i32) -> (i32, i32) {
    %c0_i32 = arith.constant 0 : i32
    %c0_i32_0 = arith.constant 0 : i32
    return %c0_i32, %arg1 : i32, i32
  }
  func.func @transform_2(%arg0: i32, %arg1: i32) -> (i32, i32) {
    %c0_i32 = arith.constant 0 : i32
    %c0_i32_0 = arith.constant 0 : i32
    return %c0_i32, %arg1 : i32, i32
  }
  func.func @transform_3(%arg0: i32, %arg1: i32) -> (i32, i32) {
    %c0_i32 = arith.constant 0 : i32
    %c0_i32_0 = arith.constant 0 : i32
    return %arg0, %c0_i32 : i32, i32
  }
  func.func @transform_4(%arg0: i32, %arg1: i32) -> (i32, i32) {
    %c0_i32 = arith.constant 0 : i32
    return %arg0, %arg1 : i32, i32
  }
  func.func @transform_5(%arg0: i32, %arg1: i32) -> (i32, i32) {
    %c0_i32 = arith.constant 0 : i32
    %c0_i32_0 = arith.constant 0 : i32
    return %arg0, %c0_i32 : i32, i32
  }
}

</mosaic_0001>

<sc_bundles>
// kernel: kernel.4.cloned.1.call-start
scs
__scs_entry_jumppad:
0x0: {  	(pc) =	sbr.rel $0x88, $3  }
0x1: {  	(tag) =	ssettag $0x0;
	lr =	simm.s32 $0x1  }
0x2: {  	[smem:$0x3F9C] =	sst lr;
	_ =	strace $0xD0000000  }
0x3: {  	_ = 	snop  }
0x4: {  	_ = 	snop  }
0x5: {  	_ = 	snop  }
0x6: {  	_ = 	snop  }
0x7: {  	_ = 	snop  }
__scs_overlays_trampoline_lowered:
0x8: {  	[smem:$0x3FAB] =	sst s0  }
0x9: {  	[smem:$0x3FAC] =	sst s1  }
0xa: {  	[smem:$0x3FAD] =	sst s2  }
0xb: {  	[smem:$0x3FAE] =	sst s3  }
0xc: {  	[smem:$0x3FAF] =	sst s4  }
0xd: {  	[smem:$0x3FB0] =	sst s5  }
0xe: {  	[smem:$0x3FB1] =	sst s6  }
0xf: {  	[smem:$0x3FB2] =	sst s7  }
0x10: {  	[smem:$0x3FB3] =	sst s8  }
0x11: {  	[smem:$0x3FB4] =	sst s9;
	s0 =	simm.s32 @!p0 $0x0  }
0x12: {  	s1 =	sld [smem:$0x3F9A];
	s0 =	simm.s32 @p0 $0x1  }
0x13: {  	[smem:$0x3FB5] =	sst s0;
	s0 =	simm.s32 @!p1 $0x0  }
0x14: {  	s2 =	sld [smem:$0x3F99];
	s0 =	simm.s32 @p1 $0x1  }
0x15: {  	[smem:$0x3FB6] =	sst s0;
	s0 =	simm.s32 @!p2 $0x0  }
0x16: {  	s3 =	sld [smem:$0x3FDB];
	s0 =	simm.s32 @p2 $0x1  }
0x17: {  	s4 =	simm.s32 $0x1BF5;
	[smem:$0x3FB8] =	sst s0  }
0x18: {  	s0 =	sld [smem:$0x3F9B];
	_ =	swait.ge [sflag:s4], $0x0  }
0x19: {  	s7 =	sld [smem:$0x3F9C]  }
0x1a: {  	s8 =	sadd.s32 $0xFFFFE003, lr  }
0x1b: {  	s9 =	sadd.s32 $0xFFFFFEF7, lr;
	s5 =	simm.s32 $0xFFFFFFFF;
	p2 =	slt.u32 s8, $0xFFFFF086  }
0x1c: {  	p1 =	slt.u32 s9, $0xF7A;
	s5 =	simm.s32 @!p2 $0x0  }
0x1d: {  	s5 =	simm.s32 @p1 $0x1;
	p0 =	seq.s32 s7, s2  }
0x1e: {  	s7 =	smul.u32 @!p0 $0xF7A, s2;
	p2 =	seq.s32 @!p0 s5, $0x0  }
0x1f: {  	s9 =	smul.u32 $0xF7A, s1;
	s8 =	simm.s32 @!p0 $0x1BF5;
	p2 =	por !p2, p0  }
0x20: {  	[sflag:s8] =	ssyncset.s32 @!p0 $0xFFFFF086;
	s6 =	sadd.s32 @!p0 s3, s7;
	s7 =	simm.s32 @!p0 $0x108  }
0x21: {  	s3 =	sadd.s32 s3, s9;
	s6 =	sadd.s32 @!p0 $0x88, s6;
	s7 =	simm.s32 @p2 $0x1082  }
0x22: {  	[simem:s7], [sflag:s8] =	dma.local @!p0 [hbm:s6], $0xF7A  }
0x23: {  	s9 =	sor.u32 $0xD0000000, s2;
	s6 =	simm.s32 $0x108;
	_ =	swait.ge @!p0 [sflag:s8], $0x0  }
0x24: {  	s3 =	sadd.s32 $0x88, s3;
	s6 =	simm.s32 @!p1 $0x1082;
	[sflag:s4] =	ssyncset.s32 $0xFFFFF086  }
0x25: {  	[simem:s6], [sflag:s4] =	dma.local [hbm:s3], $0xF7A  }
0x26: {  	[smem:$0x3F9C] =	sst s1;
	(tag) =	ssettag s2;
	_ =	strace s9  }
0x27: {  	s1 =	sld [smem:$0x3FAC]  }
0x28: {  	s2 =	sld [smem:$0x3FAD]  }
0x29: {  	s4 =	sld [smem:$0x3FAF]  }
0x2a: {  	p0 =	seq.s32 s5, $0x0;
	s5 =	sld [smem:$0x3FB0]  }
0x2b: {  	s6 =	sld [smem:$0x3FB1]  }
0x2c: {  	s7 =	sld [smem:$0x3FB2]  }
0x2d: {  	s3 =	simm.s32 $0x108;
	s8 =	sld [smem:$0x3FB3]  }
0x2e: {  	s3 =	simm.s32 @!p0 $0x1082;
	s9 =	sld [smem:$0x3FB4]  }
0x2f: {  	lr =	sadd.s32 s0, s3;
	s0 =	sld [smem:$0x3FAB]  }
0x30: {  	s3 =	sld [smem:$0x3FAE]  }
0x31: {  	[smem:$0x3FB7] =	sst s10  }
0x32: {  	s10 =	sld [smem:$0x3FB5];
	_ =	sdelay $0x3  }
0x33: {  	p0 =	seq.s32 s10, $0x1;
	s10 =	sld [smem:$0x3FB7];
	_ =	sdelay $0x3  }
0x34: {  	[smem:$0x3FB7] =	sst s10  }
0x35: {  	s10 =	sld [smem:$0x3FB6];
	_ =	sdelay $0x3  }
0x36: {  	p1 =	seq.s32 s10, $0x1;
	s10 =	sld [smem:$0x3FB7];
	_ =	sdelay $0x3  }
0x37: {  	[smem:$0x3FB7] =	sst s10  }
0x38: {  	s10 =	sld [smem:$0x3FB8]  }
0x39: {  	_ = 	snop;
	(pc) =	sbr.ind lr, $3  }
0x3a: {  	_ = 	snop  }
0x3b: {  	_ = 	snop  }
0x3c: {  	p2 =	seq.s32 s10, $0x1;
	s10 =	sld [smem:$0x3FB7]  }
0x3d: {  	_ =	shalt  }
0x3e: {  	_ =	shalt  }
0x3f: {  	_ =	shalt  }
0x40: {  	_ =	shalt  }
0x41: {  	_ =	shalt  }
0x42: {  	_ =	shalt  }
0x43: {  	_ =	shalt  }
0x44: {  	_ =	shalt  }
0x45: {  	_ =	shalt  }
0x46: {  	_ =	shalt  }
0x47: {  	_ =	shalt  }
0x48: {  	_ =	shalt  }
0x49: {  	_ =	shalt  }
0x4a: {  	_ =	shalt  }
0x4b: {  	_ =	shalt  }
0x4c: {  	_ =	shalt  }
0x4d: {  	_ =	shalt  }
0x4e: {  	_ =	shalt  }
0x4f: {  	_ =	shalt  }
0x50: {  	_ =	shalt  }
0x51: {  	_ =	shalt  }
0x52: {  	_ =	shalt  }
0x53: {  	_ =	shalt  }
0x54: {  	_ =	shalt  }
0x55: {  	_ =	shalt  }
0x56: {  	_ =	shalt  }
0x57: {  	_ =	shalt  }
0x58: {  	_ =	shalt  }
0x59: {  	_ =	shalt  }
0x5a: {  	_ =	shalt  }
0x5b: {  	_ =	shalt  }
0x5c: {  	_ =	shalt  }
0x5d: {  	_ =	shalt  }
0x5e: {  	_ =	shalt  }
0x5f: {  	_ =	shalt  }
0x60: {  	_ =	shalt  }
0x61: {  	_ =	shalt  }
0x62: {  	_ =	shalt  }
0x63: {  	_ =	shalt  }
0x64: {  	_ =	shalt  }
0x65: {  	_ =	shalt  }
0x66: {  	_ =	shalt  }
0x67: {  	_ =	shalt  }
0x68: {  	_ =	shalt  }
0x69: {  	_ =	shalt  }
0x6a: {  	_ =	shalt  }
0x6b: {  	_ =	shalt  }
0x6c: {  	_ =	shalt  }
0x6d: {  	_ =	shalt  }
0x6e: {  	_ =	shalt  }
0x6f: {  	_ =	shalt  }
0x70: {  	_ =	shalt  }
0x71: {  	_ =	shalt  }
0x72: {  	_ =	shalt  }
0x73: {  	_ =	shalt  }
0x74: {  	_ =	shalt  }
0x75: {  	_ =	shalt  }
0x76: {  	_ =	shalt  }
0x77: {  	_ =	shalt  }
0x78: {  	_ =	shalt  }
0x79: {  	_ =	shalt  }
0x7a: {  	_ =	shalt  }
0x7b: {  	_ =	shalt  }
0x7c: {  	_ =	shalt  }
0x7d: {  	_ =	shalt  }
0x7e: {  	_ =	shalt  }
0x7f: {  	_ =	shalt  }
0x80: {  	_ =	shalt  }
0x81: {  	_ =	shalt  }
0x82: {  	_ =	shalt  }
0x83: {  	_ =	shalt  }
0x84: {  	_ =	shalt  }
0x85: {  	_ =	shalt  }
0x86: {  	_ =	shalt  }
0x87: {  	_ =	shalt  }
.Lfunc_end0:
.L_simem_size_0:
called_computation_lowered:
.L_overlay_start_0:
0x88: {  	s2 =	sld [smem:$0x3FD9]  }
0x89: {  	s3 =	sld [smem:$0x3FFE];
	_ =	sdelay $0x1  }
0x8a: {  	s1 =	srdreg.scid  }
0x8b: {  	s0 =	sand.u32 $0x1, s1  }
0x8c: {  	s14 =	sshll.u32 s0, $0xA;
	s2 =	sadd.s32 s3, s2  }
0x8d: {  	s2 =	sadd.s32 s2, s14  }
0x8e: {  	[smem:$0x3FC3] =	sst s2  }
0x8f: {  	_ = 	snop  }
0x90: {  	s2 =	sld [smem:$0x3FD0];
	_ =	sdelay $0x2  }
0x91: {  	s15 =	simm.s32 $0xA;
	s4 =	simm.s32 $0x10  }
0x92: {  	[smem:s4], [sflag:s15] =	dma.local [hbm:s2], $0x1  }
0x93: {  	_ =	swait.eq [sflag:s15], $0x1  }
0x94: {  	[sflag:s15] =	ssyncset.done $0x0  }
0x95: {  	[sflag:s15] =	ssyncadd.s32 $0xFFFFFFFF  }
0x96: {  	s16 =	sld [smem:$0x10];
	(tm) =	ssettm $0x1  }
0x97: {  	s17 =	sld [smem:$0x3FFB];
	_ =	sdelay $0x3  }
0x98: {  	_ =	strace s17  }
0x99: {  	s3 =	sld [smem:$0x3FFC];
	_ =	sdelay $0x3  }
0x9a: {  	_ =	strace s3  }
0x9b: {  	s3 =	sld [smem:$0x3FFD];
	_ =	sdelay $0x3  }
0x9c: {  	_ =	strace s3  }
0x9d: {  	_ =	strace $0x8FFFFFFF  }
0x9e: {  	s18 =	sld [smem:$0x3FDB];
	_ =	sdelay $0x1  }
0x9f: {  	s19 =	simm.s32 $_scs_section_size  }
0xa0: {  	s5 =	simm.s32 $_size__tile_overlayer_lowered;
	s6 =	simm.s32 $_tile_overlayer_lowered  }
0xa1: {  	s22 =	simm.s32 $0x1BFF;
	s21 =	sshll.u32 s6, $0x1;
	s3 =	sadd.s32 s19, s18  }
0xa2: {  	s7 =	simm.s32 $0x0;
	s20 =	sshll.u32 s5, $0x1;
	s5 =	sadd.s32 s21, s3  }
0xa3: {  	[timem:s7], [sflag:s22] =	dma.local [hbm:s5], s20  }
0xa4: {  	_ =	swait.ge [sflag:s22], s20  }
0xa5: {  	s4 =	ssub.s32 $0x0, s20;
	[sflag:s22] =	ssyncset.done $0x0  }
0xa6: {  	[sflag:s22] =	ssyncadd.s32 s4;
	_ =	sdelay $0x1  }
0xa7: {  	s23 =	simm.s32 $0x1B8B  }
0xa8: {  	_ =	swait.ge [sflag:s23], $0x1  }
0xa9: {  	[sflag:s23] =	ssyncset.done $0x0  }
0xaa: {  	s25 =	simm.s32 $0x1B8E;
	s24 =	sld [smem:$0x3FFE];
	[sflag:s23] =	ssyncadd.s32 $0xFFFFFFFF  }
0xab: {  	s26 =	simm.s32 $execute0_lowered;
	[smem:$0x3FD2] =	sst s25  }
0xac: {  	s5 =	sshll.u32 s26, $0x1;
	_ =	strace $0x80000046;
	[dreg:$0x1] =	wrdreg $0xFFFFFFFF  }
0xad: {  	s28 =	simm.s32 $_size_execute0_lowered;
	s3 =	sadd.s32 s3, s5;
	[dreg:$0x0] =	wrdreg $0x0  }
0xae: {  	s5 =	sshll.u32 s28, $0x1;
	[dreg:$0x2] =	wrdreg s3  }
0xaf: {  	[dreg:$0x3] =	wrdreg s5  }
0xb0: {  	[dreg:$0x4] =	wrdreg $0xC0  }
0xb1: {  	_ =	task [dreg:s7], $0x5FFFF  }
0xb2: {  	[dreg:$0x1] =	wrdreg $0xFFFFFFFF  }
0xb3: {  	[dreg:$0x0] =	wrdreg $0x60  }
0xb4: {  	[dreg:$0x2] =	wrdreg s24  }
0xb5: {  	[dreg:$0x3] =	wrdreg s16  }
0xb6: {  	[dreg:$0x4] =	wrdreg $0x9  }
0xb7: {  	_ =	task.clear_ibuf [dreg:s7], $0x5FFFF;
	_ =	strace $0x90000046  }
0xb8: {  	s29 =	simm.s32 $0x9;
	_ =	strace $0x80000048  }
0xb9: {  	_ =	swait.ge [sflag:s29], $0x1  }
0xba: {  	[sflag:s29] =	ssyncadd.s32 $0xFFFFFFFF  }
0xbb: {  	_ =	strace $0x90000048  }
0xbc: {  	_ =	sfence  }
0xbd: {  	s30 =	sld [smem:$0x0];
	_ =	sdelay $0x2  }
0xbe: {  	s31 =	sshll.u32 s1, $0xD;
	s1 =	sshrl.u32 s1, $0x2  }
0xbf: {  	s3 =	sand.u32 $0x4000, s31;
	s1 =	sadd.s32 s1, s30  }
0xc0: {  	s0 =	sor.u32 s3, s0;
	s1 =	sshll.u32 s1, $0x11  }
0xc1: {  	s0 =	sor.u32 s1, s0  }
0xc2: {  	s0 =	sadd.s32 $0x8F2B, s0  }
0xc3: {  	[sflag:s0] =	ssyncadd.remote.s32 $0x1  }
0xc4: {  	_ =	sfence.sel $0xFFFF  }
0xc5: {  	[dreg:$0x0] =	wrdreg $0xFFFFFFFF;
	(pc) =	sbr.abs _section_cstart, $3  }
0xc6: {  	[dreg:$0x1] =	wrdreg $0xFFFFFFFF  }
0xc7: {  	_ =	task.clear_ibuf [dreg:s7], $0x2FFFF;
	_ =	strace $0x9FFFFFFF  }
0xc8: {  	(tm) =	ssettm $0x7FFFFFFF  }
0xc9: {  	_ =	shalt  }
tec
execute0_lowered:
.L_overlay_start_1:
0x0: {  	(tag) =	ssettag $0x1  }
0x1: {  	s4 =	rddreg [dreg:$0x0];
	s1 =	srdreg.scid  }
0x2: {  	s0 =	stileid.u32;
	s5 =	rddreg [dreg:$0x1]  }
0x3: {  	s2 =	simm.s32 $0x0;
	s9 =	simm.s32 $0x1900;
	s10 =	simm.s32 $0x1A00  }
0x4: {  	s11 =	simm.s32 $0x1980;
	s12 =	simm.s32 $0x5A00;
	s13 =	simm.s32 $0x1  }
0x5: {  	s14 =	simm.s32 $0x2;
	s15 =	simm.s32 $0x9A00;
	s16 =	simm.s32 $0x0  }
0x6: {  	s3 =	sand.u32 $0x1, s1;
	s6 =	sshll.u32 s0, $0x1;
	[smem:$0x7FF] =	sst s2  }
0x7: {  	s1 =	rddreg [dreg:$0x2];
	s6 =	sor.u32 s3, s6;
	_ =	strace $0x80000047  }
0x8: {  	s8 =	ssub.s32 $0x2, s3;
	s7 =	smul.u32 $0x320, s6;
	s6 =	sshll.u32 s6, $0x7  }
0x9: {  	s3 =	sadd.s32 $0x7A00, s4;
	s31 =	sshrl.u32 s8, $0x1;
	s5 =	sadd.s32 s5, s6  }
0xa: {  	s4 =	sadd.s32 s7, s4;
	s7 =	ssub.s32 s8, s31;
	s8 =	simm.s32 $0x80  }
0xb: {  	v0 =	vimm.f32 $0.0e+00;
	s4 =	sadd.s32 $0x1600, s4;
	s6 =	smax.u32 s7, $0x1;
	s7 =	simm.s32 $0x3  }
.LBB2_1:
0xc: {  	[tilespmem:s2], [sflag:$0x3] =	stream.linear.gather [hbm4b:s4+s2], $0x1900, $0x38;
	[tilespmem:$0x9E00] =	vst v63  }
0xd: {  	_ =	swait.ge [sflag:s7], $0x1900  }
0xe: {  	[sflag:s7] =	ssyncset.done $0x0  }
0xf: {  	[sflag:s7] =	ssyncadd.s32 $0xFFFFE700  }
0x10: {  	[tilespmem:$0x9A00] =	vst v0  }
0x11: {  	[tilespmem:$0x9A10] =	vst v0  }
0x12: {  	[tilespmem:$0x9A20] =	vst v0  }
0x13: {  	[tilespmem:$0x9A30] =	vst v0  }
0x14: {  	[tilespmem:$0x9A40] =	vst v0  }
0x15: {  	[tilespmem:$0x9A50] =	vst v0  }
0x16: {  	[tilespmem:$0x9A60] =	vst v0  }
0x17: {  	[tilespmem:$0x9A70] =	vst v0  }
0x18: {  	[tilespmem:$0x9A80] =	vst v0  }
0x19: {  	[tilespmem:$0x9A90] =	vst v0  }
0x1a: {  	[tilespmem:$0x9AA0] =	vst v0  }
0x1b: {  	[tilespmem:$0x9AB0] =	vst v0  }
0x1c: {  	[tilespmem:$0x9AC0] =	vst v0  }
0x1d: {  	[tilespmem:$0x9AD0] =	vst v0  }
0x1e: {  	[tilespmem:$0x9AE0] =	vst v0  }
0x1f: {  	[tilespmem:$0x9AF0] =	vst v0  }
0x20: {  	[tilespmem:$0x9B00] =	vst v0  }
0x21: {  	[tilespmem:$0x9B10] =	vst v0  }
0x22: {  	[tilespmem:$0x9B20] =	vst v0  }
0x23: {  	[tilespmem:$0x9B30] =	vst v0  }
0x24: {  	[tilespmem:$0x9B40] =	vst v0  }
0x25: {  	[tilespmem:$0x9B50] =	vst v0  }
0x26: {  	[tilespmem:$0x9B60] =	vst v0  }
0x27: {  	[tilespmem:$0x9B70] =	vst v0;
	v1 =	vld [tilespmem:$0x0]  }
0x28: {  	[tilespmem:$0x9B80] =	vst v0  }
0x29: {  	[tilespmem:$0x9B90] =	vst v0  }
0x2a: {  	[tilespmem:$0x9BA0] =	vst v0  }
0x2b: {  	[tilespmem:$0x9BB0] =	vst v0  }
0x2c: {  	[tilespmem:$0x9BC0] =	vst v0;
	v1 =	vshra.s32 v1, $0x2  }
0x2d: {  	[tilespmem:$0x1900] =	vst v1;
	v1 =	vld [tilespmem:$0x10]  }
0x2e: {  	[tilespmem:$0x9BD0] =	vst v0  }
0x2f: {  	[tilespmem:$0x9BE0] =	vst v0  }
0x30: {  	[tilespmem:$0x9BF0] =	vst v0  }
0x31: {  	[tilespmem:$0x9C00] =	vst v0  }
0x32: {  	[tilespmem:$0x9C10] =	vst v0;
	v1 =	vshra.s32 v1, $0x2  }
0x33: {  	[tilespmem:$0x1910] =	vst v1;
	v1 =	vld [tilespmem:$0x20]  }
0x34: {  	[tilespmem:$0x9C20] =	vst v0  }
0x35: {  	[tilespmem:$0x9C30] =	vst v0  }
0x36: {  	[tilespmem:$0x9C40] =	vst v0  }
0x37: {  	[tilespmem:$0x9C50] =	vst v0  }
0x38: {  	[tilespmem:$0x9C60] =	vst v0;
	v1 =	vshra.s32 v1, $0x2  }
0x39: {  	[tilespmem:$0x1920] =	vst v1;
	v1 =	vld [tilespmem:$0x30]  }
0x3a: {  	[tilespmem:$0x9C70] =	vst v0  }
0x3b: {  	[tilespmem:$0x9C80] =	vst v0  }
0x3c: {  	[tilespmem:$0x9C90] =	vst v0  }
0x3d: {  	[tilespmem:$0x9CA0] =	vst v0  }
0x3e: {  	[tilespmem:$0x9CB0] =	vst v0;
	v1 =	vshra.s32 v1, $0x2  }
0x3f: {  	[tilespmem:$0x1930] =	vst v1;
	v1 =	vld [tilespmem:$0x40]  }
0x40: {  	[tilespmem:$0x9CC0] =	vst v0  }
0x41: {  	[tilespmem:$0x9CD0] =	vst v0  }
0x42: {  	[tilespmem:$0x9CE0] =	vst v0  }
0x43: {  	[tilespmem:$0x9CF0] =	vst v0  }
0x44: {  	[tilespmem:$0x9D00] =	vst v0;
	v1 =	vshra.s32 v1, $0x2  }
0x45: {  	[tilespmem:$0x1940] =	vst v1;
	v1 =	vld [tilespmem:$0x50]  }
0x46: {  	[tilespmem:$0x9D10] =	vst v0  }
0x47: {  	[tilespmem:$0x9D20] =	vst v0  }
0x48: {  	[tilespmem:$0x9D30] =	vst v0  }
0x49: {  	[tilespmem:$0x9D40] =	vst v0  }
0x4a: {  	[tilespmem:$0x9D50] =	vst v0;
	v1 =	vshra.s32 v1, $0x2  }
0x4b: {  	[tilespmem:$0x1950] =	vst v1;
	v1 =	vld [tilespmem:$0x60]  }
0x4c: {  	[tilespmem:$0x9D60] =	vst v0  }
0x4d: {  	[tilespmem:$0x9D70] =	vst v0  }
0x4e: {  	[tilespmem:$0x9D80] =	vst v0  }
0x4f: {  	[tilespmem:$0x9D90] =	vst v0  }
0x50: {  	[tilespmem:$0x9DA0] =	vst v0;
	v1 =	vshra.s32 v1, $0x2  }
0x51: {  	[tilespmem:$0x1960] =	vst v1;
	v1 =	vld [tilespmem:$0x70]  }
0x52: {  	[tilespmem:$0x9DB0] =	vst v0  }
0x53: {  	[tilespmem:$0x9DC0] =	vst v0  }
0x54: {  	[tilespmem:$0x9DD0] =	vst v0  }
0x55: {  	[tilespmem:$0x9DE0] =	vst v0  }
0x56: {  	[tilespmem:$0x9DF0] =	vst v0;
	v1 =	vshra.s32 v1, $0x2  }
0x57: {  	s17 =	simm.s32 $0x0;
	[tilespmem:$0x1970] =	vst v1  }
0x58: {  	[tilespmem:s10], [sflag:$0x1] =	stream.indirect.gather [hbm4b:s3+s8], $0x80, s9, s8, $0xb8;
	[tilespmem:$0x9E00] =	vst v63  }
.LBB2_2:
0x59: {  	s18 =	sshll.u32 s17, $0x8  }
0x5a: {  	v1 =	vld [tilespmem:s18+$0x80];
	_ =	sdelay $0x4  }
0x5b: {  	v1 =	vshra.s32 v1, $0x2  }
0x5c: {  	[tilespmem:$0x1980] =	vst v1  }
0x5d: {  	v1 =	vld [tilespmem:s18+$0x90];
	_ =	sdelay $0x4  }
0x5e: {  	v1 =	vshra.s32 v1, $0x2  }
0x5f: {  	[tilespmem:$0x1990] =	vst v1  }
0x60: {  	v1 =	vld [tilespmem:s18+$0xA0];
	_ =	sdelay $0x4  }
0x61: {  	v1 =	vshra.s32 v1, $0x2  }
0x62: {  	[tilespmem:$0x19A0] =	vst v1  }
0x63: {  	v1 =	vld [tilespmem:s18+$0xB0];
	_ =	sdelay $0x4  }
0x64: {  	v1 =	vshra.s32 v1, $0x2  }
0x65: {  	[tilespmem:$0x19B0] =	vst v1  }
0x66: {  	v1 =	vld [tilespmem:s18+$0xC0];
	_ =	sdelay $0x4  }
0x67: {  	v1 =	vshra.s32 v1, $0x2  }
0x68: {  	[tilespmem:$0x19C0] =	vst v1  }
0x69: {  	v1 =	vld [tilespmem:s18+$0xD0];
	_ =	sdelay $0x4  }
0x6a: {  	v1 =	vshra.s32 v1, $0x2  }
0x6b: {  	[tilespmem:$0x19D0] =	vst v1  }
0x6c: {  	v1 =	vld [tilespmem:s18+$0xE0];
	_ =	sdelay $0x4  }
0x6d: {  	v1 =	vshra.s32 v1, $0x2  }
0x6e: {  	[tilespmem:$0x19E0] =	vst v1  }
0x6f: {  	v1 =	vld [tilespmem:s18+$0xF0];
	_ =	sdelay $0x3  }
0x70: {  	s19 =	sshll.u32 s17, $0x5  }
0x71: {  	s19 =	sand.u32 $0x1FE0, s19;
	v1 =	vshra.s32 v1, $0x2  }
0x72: {  	s19 =	smul.u32 $0x147B, s19;
	[tilespmem:$0x19F0] =	vst v1  }
0x73: {  	[tilespmem:s12], [sflag:$0x2] =	stream.indirect.gather [hbm4b:s3+s8], $0x80, s11, s8, $0xb8;
	[tilespmem:$0x9E00] =	vst v63  }
0x74: {  	s22 =	sshrl.u32 s19, $0x11;
	_ =	swait.ge [sflag:s13], $0x4000  }
0x75: {  	s19 =	sadd.s32 $0x1, s22;
	[sflag:s13] =	ssyncset.done $0x0  }
0x76: {  	s21 =	simm.s32 $0x1C00;
	s20 =	smul.u32 $0xC8, s19;
	[sflag:s13] =	ssyncadd.s32 $0xFFFFC000  }
0x77: {  	v1 =	vld [tilespmem:s21+$0xFFFFFE00]  }
0x78: {  	s20 =	ssub.s32 s20, s18;
	v2 =	vld [tilespmem:s21+$0xFFFFFE10]  }
0x79: {  	p0 =	slt.s32 s20, $0x80;
	s23 =	smov.u32 s20;
	v3 =	vld [tilespmem:s21+$0xFFFFFE80]  }
0x7a: {  	s23 =	simm.s32 @!p0 $0x80;
	v4 =	vld [tilespmem:s21+$0xFFFFFE90]  }
0x7b: {  	p0 =	sgt.s32 s23, $0x0;
	v5 =	vld [tilespmem:s21+$0xFFFFFF00]  }
0x7c: {  	v6 =	vimm.f32 $0.0e+00;
	v8 =	vld [tilespmem:s21+$0xFFFFFF10];
	v7 =	vpsel !p0, $0x0, v1  }
0x7d: {  	p2 =	sgt.s32 s23, $0x1;
	v10 =	vld [tilespmem:s21+$0xFFFFFF80];
	v1 =	vadd.f32 v1, v6;
	v9 =	vadd.f32 v2, v6;
	v2 =	vpsel !p0, $0x0, v2  }
0x7e: {  	v11 =	vld [tilespmem:s21+$0xFFFFFF90];
	v7 =	vadd.f32 v7, v6;
	v2 =	vadd.f32 v2, v6;
	v6 =	vpsel !p2, $0x0, v3  }
0x7f: {  	p3 =	sgt.s32 s23, $0x2;
	v1 =	vadd.f32 v3, v1;
	v3 =	vadd.f32 v4, v9;
	v4 =	vpsel !p2, $0x0, v4;
	v9 =	vld [tilespmem:s21+$0x0]  }
0x80: {  	v6 =	vadd.f32 v6, v7;
	v2 =	vadd.f32 v4, v2;
	v4 =	vpsel !p3, $0x0, v5;
	v7 =	vld [tilespmem:s21+$0x10]  }
0x81: {  	p4 =	sgt.s32 s23, $0x3;
	v1 =	vadd.f32 v5, v1;
	v3 =	vadd.f32 v8, v3;
	v5 =	vpsel !p3, $0x0, v8;
	v8 =	vld [tilespmem:s21+$0x80]  }
0x82: {  	v12 =	vld [tilespmem:s21+$0x90];
	v4 =	vadd.f32 v4, v6;
	v2 =	vadd.f32 v5, v2;
	v6 =	vpsel !p4, $0x0, v10  }
0x83: {  	p5 =	sgt.s32 s23, $0x4;
	v5 =	vld [tilespmem:s21+$0x100];
	v1 =	vadd.f32 v10, v1;
	v3 =	vadd.f32 v11, v3;
	v10 =	vpsel !p4, $0x0, v11  }
0x84: {  	v4 =	vadd.f32 v6, v4;
	v10 =	vadd.f32 v10, v2;
	v11 =	vpsel !p5, $0x0, v9;
	v6 =	vld [tilespmem:s21+$0x110]  }
0x85: {  	p6 =	sgt.s32 s23, $0x5;
	v2 =	vld [tilespmem:s21+$0x180];
	v9 =	vadd.f32 v9, v1;
	v3 =	vadd.f32 v7, v3;
	v1 =	vpsel !p5, $0x0, v7  }
0x86: {  	s24 =	simm.s32 $0x2000;
	v11 =	vadd.f32 v11, v4;
	v13 =	vadd.f32 v1, v10;
	v10 =	vpsel !p6, $0x0, v8;
	v4 =	vld [tilespmem:s21+$0x190]  }
0x87: {  	s26 =	simm.s32 $0x7;
	p1 =	sgt.s32 s23, $0x6;
	v1 =	vld [tilespmem:s24+$0xFFFFFE00];
	v8 =	vadd.f32 v8, v9;
	v7 =	vadd.f32 v12, v3;
	v9 =	vpsel !p6, $0x0, v12  }
0x88: {  	s25 =	simm.s32 $0xF;
	s28 =	simm.s32 $0x17;
	s21 =	sor.u32 $0x80, s18;
	v3 =	vld [tilespmem:s24+$0xFFFFFE10];
	v10 =	vadd.f32 v10, v11;
	v9 =	vadd.f32 v9, v13;
	v11 =	vpsel !p1, $0x0, v5  }
.LBB2_3:
0x89: {  	p0 =	sne.s32 s28, $0x7F;
	v12 =	vld [tilespmem:s24+$0xFFFFFE80];
	v5 =	vadd.f32 v5, v8;
	v7 =	vadd.f32 v6, v7;
	v6 =	vpsel !p1, $0x0, v6;
	p1 =	slt.s32 s26, s23;
	s26 =	smov.u32 s25  }
0x8a: {  	s25 =	smov.u32 s28;
	s29 =	sadd.s32 $0xFFFFFFF9, s26;
	v8 =	vld [tilespmem:s24+$0xFFFFFE90];
	v10 =	vadd.f32 v11, v10;
	v6 =	vadd.f32 v6, v9;
	v9 =	vpsel !p1, $0x0, v2  }
0x8b: {  	p2 =	slt.s32 s29, s23;
	v11 =	vld [tilespmem:s24+$0xFFFFFF00];
	v2 =	vadd.f32 v2, v5;
	v5 =	vadd.f32 v4, v7;
	v4 =	vpsel !p1, $0x0, v4  }
0x8c: {  	s29 =	sadd.s32 $0xFFFFFFFA, s26;
	v7 =	vpsel !p2, $0x0, v1;
	v13 =	vld [tilespmem:s24+$0xFFFFFF10];
	v9 =	vadd.f32 v9, v10;
	v4 =	vadd.f32 v4, v6  }
0x8d: {  	p1 =	slt.s32 s29, s23;
	v1 =	vadd.f32 v1, v2;
	v2 =	vadd.f32 v3, v5;
	v3 =	vpsel !p2, $0x0, v3;
	v5 =	vld [tilespmem:s24+$0xFFFFFF80]  }
0x8e: {  	s29 =	sadd.s32 $0xFFFFFFFB, s26;
	v6 =	vadd.f32 v7, v9;
	v3 =	vadd.f32 v3, v4;
	v4 =	vpsel !p1, $0x0, v12;
	v7 =	vld [tilespmem:s24+$0xFFFFFF90]  }
0x8f: {  	v1 =	vadd.f32 v12, v1;
	v2 =	vadd.f32 v8, v2;
	v8 =	vpsel !p1, $0x0, v8;
	p1 =	slt.s32 s29, s23;
	v9 =	vld [tilespmem:s24+$0x0]  }
0x90: {  	s29 =	sadd.s32 $0xFFFFFFFC, s26;
	v4 =	vadd.f32 v4, v6;
	v3 =	vadd.f32 v8, v3;
	v6 =	vpsel !p1, $0x0, v11;
	v8 =	vld [tilespmem:s24+$0x10]  }
0x91: {  	v1 =	vadd.f32 v11, v1;
	v2 =	vadd.f32 v13, v2;
	v10 =	vpsel !p1, $0x0, v13;
	p1 =	slt.s32 s29, s23;
	v11 =	vld [tilespmem:s24+$0x80]  }
0x92: {  	s29 =	sadd.s32 $0xFFFFFFFD, s26;
	v4 =	vadd.f32 v6, v4;
	v3 =	vadd.f32 v10, v3;
	v6 =	vpsel !p1, $0x0, v5;
	v10 =	vld [tilespmem:s24+$0x90]  }
0x93: {  	v1 =	vadd.f32 v5, v1;
	v2 =	vadd.f32 v7, v2;
	v7 =	vpsel !p1, $0x0, v7;
	p1 =	slt.s32 s29, s23;
	v5 =	vld [tilespmem:s24+$0x100]  }
.Ltmp0:
0x94: {  	s29 =	sadd.s32 $0xFFFFFFFE, s26;
	v4 =	vadd.f32 v6, v4;
	v3 =	vadd.f32 v7, v3;
	v7 =	vpsel !p1, $0x0, v9;
	v6 =	vld [tilespmem:s24+$0x110];
	(pc) =	sbr.rel @p0 .LBB2_3-.Ltmp0, $4  }
0x95: {  	v9 =	vadd.f32 v9, v1;
	v12 =	vadd.f32 v8, v2;
	v1 =	vpsel !p1, $0x0, v8;
	p1 =	slt.s32 s29, s23;
	v2 =	vld [tilespmem:s24+$0x180]  }
0x96: {  	s29 =	sadd.s32 $0xFFFFFFFF, s26;
	v13 =	vadd.f32 v7, v4;
	v14 =	vadd.f32 v1, v3;
	v15 =	vpsel !p1, $0x0, v11;
	v4 =	vld [tilespmem:s24+$0x190];
	s24 =	sadd.s32 $0x400, s24  }
0x97: {  	v1 =	vld [tilespmem:s24+$0xFFFFFE00];
	v8 =	vadd.f32 v11, v9;
	v7 =	vadd.f32 v10, v12;
	v9 =	vpsel !p1, $0x0, v10;
	p1 =	slt.s32 s29, s23  }
0x98: {  	s28 =	sadd.s32 $0x8, s28;
	v3 =	vld [tilespmem:s24+$0xFFFFFE10];
	v10 =	vadd.f32 v15, v13;
	v9 =	vadd.f32 v9, v14;
	v11 =	vpsel !p1, $0x0, v5  }
0x99: {  	_ = 	snop  }
0x9a: {  	v12 =	vld [tilespmem:s24+$0xFFFFFE80];
	v13 =	vpsel !p1, $0x0, v6;
	p0 =	slt.s32 s26, s23;
	v10 =	vadd.f32 v11, v10  }
0x9b: {  	s30 =	sadd.s32 $0xFFFFFFF9, s25;
	v11 =	vld [tilespmem:s24+$0xFFFFFE90];
	v9 =	vadd.f32 v13, v9;
	v51 =	vpsel !p0, $0x0, v2  }
0x9c: {  	v14 =	vld [tilespmem:s24+$0xFFFFFF00];
	p6 =	slt.s32 s30, s23;
	v15 =	vpsel !p0, $0x0, v4;
	v10 =	vadd.f32 v51, v10  }
0x9d: {  	s31 =	sadd.s32 $0xFFFFFFFA, s25;
	v16 =	vld [tilespmem:s24+$0xFFFFFF10];
	v52 =	vpsel !p6, $0x0, v1;
	v9 =	vadd.f32 v15, v9  }
0x9e: {  	v17 =	vld [tilespmem:s24+$0xFFFFFF80];
	p1 =	slt.s32 s31, s23;
	v53 =	vpsel !p6, $0x0, v3;
	v10 =	vadd.f32 v52, v10  }
0x9f: {  	s28 =	sadd.s32 $0xFFFFFFFB, s25;
	v55 =	vld [tilespmem:s24+$0xFFFFFF90];
	v9 =	vadd.f32 v53, v9;
	v54 =	vpsel !p1, $0x0, v12  }
0xa0: {  	v56 =	vld [tilespmem:s24+$0x0];
	p2 =	slt.s32 s28, s23;
	v18 =	vpsel !p1, $0x0, v11;
	v10 =	vadd.f32 v54, v10  }
0xa1: {  	v5 =	vadd.f32 v5, v8;
	s29 =	sadd.s32 $0xFFFFFFFC, s25;
	v57 =	vld [tilespmem:s24+$0x10];
	v8 =	vadd.f32 v18, v9;
	v9 =	vpsel !p2, $0x0, v14  }
0xa2: {  	v6 =	vadd.f32 v6, v7;
	p3 =	slt.s32 s29, s23;
	v7 =	vpsel !p2, $0x0, v16;
	v9 =	vadd.f32 v9, v10;
	v10 =	vld [tilespmem:s24+$0x80]  }
0xa3: {  	s30 =	sadd.s32 $0xFFFFFFFD, s25;
	v2 =	vadd.f32 v2, v5;
	v5 =	vadd.f32 v7, v8;
	v7 =	vpsel !p3, $0x0, v17;
	v8 =	vld [tilespmem:s24+$0x90]  }
0xa4: {  	v4 =	vadd.f32 v4, v6;
	p4 =	slt.s32 s30, s23;
	v6 =	vpsel !p3, $0x0, v55;
	v7 =	vadd.f32 v7, v9;
	v9 =	vld [tilespmem:s24+$0x100]  }
0xa5: {  	s31 =	sadd.s32 $0xFFFFFFFE, s25;
	v1 =	vadd.f32 v1, v2;
	v2 =	vadd.f32 v6, v5;
	v5 =	vpsel !p4, $0x0, v56;
	v6 =	vld [tilespmem:s24+$0x110]  }
0xa6: {  	p5 =	slt.s32 s31, s23;
	v3 =	vadd.f32 v3, v4;
	v4 =	vpsel !p4, $0x0, v57;
	v5 =	vadd.f32 v5, v7;
	v7 =	vld [tilespmem:s24+$0x180]  }
0xa7: {  	v58 =	vld [tilespmem:s24+$0x190];
	s28 =	sadd.s32 $0xFFFFFFFF, s25;
	v1 =	vadd.f32 v12, v1;
	v2 =	vadd.f32 v4, v2;
	v4 =	vpsel !p5, $0x0, v10  }
0xa8: {  	s22 =	sshll.u32 s22, $0x5;
	p6 =	slt.s32 s28, s23;
	v3 =	vadd.f32 v11, v3;
	v4 =	vadd.f32 v4, v5;
	v5 =	vpsel !p5, $0x0, v8  }
0xa9: {  	v11 =	vld [tilespmem:s22+$0x9A00];
	v1 =	vadd.f32 v14, v1;
	v2 =	vadd.f32 v5, v2;
	v5 =	vpsel !p6, $0x0, v9  }
0xaa: {  	p1 =	slt.s32 s25, s23;
	v3 =	vadd.f32 v16, v3;
	v59 =	vpsel !p6, $0x0, v6;
	v4 =	vadd.f32 v5, v4;
	v5 =	vld [tilespmem:s22+$0x9A10]  }
0xab: {  	v1 =	vadd.f32 v17, v1;
	v2 =	vadd.f32 v59, v2;
	v60 =	vpsel !p1, $0x0, v7  }
0xac: {  	v61 =	vpsel !p1, $0x0, v58;
	v3 =	vadd.f32 v55, v3;
	v4 =	vadd.f32 v60, v4  }
0xad: {  	v1 =	vadd.f32 v56, v1;
	v2 =	vadd.f32 v61, v2  }
0xae: {  	v3 =	vadd.f32 v57, v3;
	v11 =	vadd.f32 v11, v4  }
0xaf: {  	v1 =	vadd.f32 v10, v1;
	v5 =	vadd.f32 v5, v2  }
0xb0: {  	p0 =	sgt.s32 s20, $0x7F;
	v3 =	vadd.f32 v8, v3;
	[tilespmem:s22+$0x9A00] =	vst v11  }
0xb1: {  	s19 =	sshll.u32 @!p0 s19, $0x5;
	v1 =	vadd.f32 v9, v1;
	[tilespmem:s22+$0x9A10] =	vst v5  }
0xb2: {  	v3 =	vadd.f32 v6, v3;
	v5 =	vld @!p0 [tilespmem:s19+$0x9A00]  }
0xb3: {  	v1 =	vadd.f32 v7, v1;
	v6 =	vld @!p0 [tilespmem:s19+$0x9A10]  }
0xb4: {  	v3 =	vadd.f32 v58, v3  }
0xb5: {  	v1 =	vsub.f32 @!p0 v1, v4  }
0xb6: {  	v2 =	vsub.f32 @!p0 v3, v2  }
0xb7: {  	v1 =	vadd.f32 @!p0 v5, v1  }
0xb8: {  	v2 =	vadd.f32 @!p0 v6, v2  }
0xb9: {  	[tilespmem:s19+$0x9A00] =	vst @!p0 v1  }
0xba: {  	[tilespmem:s19+$0x9A10] =	vst @!p0 v2;
	p0 =	seq.s32 s17, $0x18  }
0xbb: {  	v1 =	vld @!p0 [tilespmem:s18+$0x100];
	_ =	sdelay $0x4  }
0xbc: {  	v1 =	vshra.s32 @!p0 v1, $0x2  }
0xbd: {  	[tilespmem:$0x1900] =	vst @!p0 v1  }
0xbe: {  	v1 =	vld @!p0 [tilespmem:s18+$0x110];
	_ =	sdelay $0x4  }
0xbf: {  	v1 =	vshra.s32 @!p0 v1, $0x2  }
0xc0: {  	[tilespmem:$0x1910] =	vst @!p0 v1  }
0xc1: {  	v1 =	vld @!p0 [tilespmem:s18+$0x120];
	_ =	sdelay $0x4  }
0xc2: {  	v1 =	vshra.s32 @!p0 v1, $0x2  }
0xc3: {  	[tilespmem:$0x1920] =	vst @!p0 v1  }
0xc4: {  	v1 =	vld @!p0 [tilespmem:s18+$0x130];
	_ =	sdelay $0x4  }
0xc5: {  	v1 =	vshra.s32 @!p0 v1, $0x2  }
0xc6: {  	[tilespmem:$0x1930] =	vst @!p0 v1  }
0xc7: {  	v1 =	vld @!p0 [tilespmem:s18+$0x140];
	_ =	sdelay $0x4  }
0xc8: {  	v1 =	vshra.s32 @!p0 v1, $0x2  }
0xc9: {  	[tilespmem:$0x1940] =	vst @!p0 v1  }
0xca: {  	v1 =	vld @!p0 [tilespmem:s18+$0x150];
	_ =	sdelay $0x4  }
0xcb: {  	v1 =	vshra.s32 @!p0 v1, $0x2  }
0xcc: {  	[tilespmem:$0x1950] =	vst @!p0 v1  }
0xcd: {  	v1 =	vld @!p0 [tilespmem:s18+$0x160];
	_ =	sdelay $0x4  }
0xce: {  	v1 =	vshra.s32 @!p0 v1, $0x2  }
0xcf: {  	[tilespmem:$0x1960] =	vst @!p0 v1  }
0xd0: {  	v1 =	vld @!p0 [tilespmem:s18+$0x170];
	_ =	sdelay $0x4  }
0xd1: {  	s29 =	smulhi.u32 $0x51EB851F, s21;
	v1 =	vshra.s32 @!p0 v1, $0x2  }
0xd2: {  	s19 =	simm.s32 @!p0 $0x1900;
	s20 =	simm.s32 @!p0 $0x1A00;
	s18 =	simm.s32 @!p0 $0x80;
	[tilespmem:$0x1970] =	vst @!p0 v1  }
0xd3: {  	[tilespmem:s20], [sflag:$0x1] =	stream.indirect.gather @!p0 [hbm4b:s3+s18], $0x80, s19, s18, $0xb8;
	[tilespmem:$0x9E00] =	vst v63  }
0xd4: {  	s20 =	sshrl.u32 s29, $0x6;
	_ =	swait.ge [sflag:s14], $0x4000  }
0xd5: {  	s18 =	sadd.s32 $0x1, s20;
	[sflag:s14] =	ssyncset.done $0x0  }
0xd6: {  	s31 =	simm.s32 $0x0;
	s30 =	smul.u32 $0xC8, s18;
	[sflag:s14] =	ssyncadd.s32 $0xFFFFC000  }
0xd7: {  	v1 =	vld [tilespmem:s31+$0x5A00]  }
0xd8: {  	s19 =	ssub.s32 s30, s21;
	v2 =	vld [tilespmem:s31+$0x5A10]  }
0xd9: {  	v3 =	vld [tilespmem:s31+$0x5A80];
	p0 =	slt.s32 s19, $0x80;
	s21 =	smov.u32 s19  }
0xda: {  	v4 =	vld [tilespmem:s31+$0x5A90];
	s21 =	simm.s32 @!p0 $0x80  }
0xdb: {  	v5 =	vld [tilespmem:s31+$0x5B00];
	p0 =	sgt.s32 s21, $0x0  }
0xdc: {  	v6 =	vimm.f32 $0.0e+00;
	v8 =	vld [tilespmem:s31+$0x5B10];
	v7 =	vpsel !p0, $0x0, v1  }
0xdd: {  	v11 =	vld [tilespmem:s31+$0x5B90];
	p2 =	sgt.s32 s21, $0x1;
	v1 =	vadd.f32 v1, v6;
	v9 =	vadd.f32 v2, v6;
	v2 =	vpsel !p0, $0x0, v2  }
0xde: {  	v10 =	vld [tilespmem:s31+$0x5B80];
	v7 =	vadd.f32 v7, v6;
	v2 =	vadd.f32 v2, v6;
	v6 =	vpsel !p2, $0x0, v3  }
0xdf: {  	p3 =	sgt.s32 s21, $0x2;
	v1 =	vadd.f32 v3, v1;
	v3 =	vadd.f32 v4, v9;
	v4 =	vpsel !p2, $0x0, v4;
	v9 =	vld [tilespmem:s31+$0x5C00]  }
0xe0: {  	v6 =	vadd.f32 v6, v7;
	v2 =	vadd.f32 v4, v2;
	v4 =	vpsel !p3, $0x0, v5;
	v7 =	vld [tilespmem:s31+$0x5C10]  }
0xe1: {  	v62 =	vld [tilespmem:s31+$0x5C80];
	p4 =	sgt.s32 s21, $0x3;
	v1 =	vadd.f32 v5, v1;
	v3 =	vadd.f32 v8, v3;
	v5 =	vpsel !p3, $0x0, v8  }
0xe2: {  	v63 =	vld [tilespmem:s31+$0x5C90];
	v8 =	vpsel !p4, $0x0, v11;
	v4 =	vadd.f32 v4, v6;
	v2 =	vadd.f32 v5, v2  }
0xe3: {  	p5 =	sgt.s32 s21, $0x4;
	v5 =	vpsel !p4, $0x0, v10;
	v1 =	vadd.f32 v10, v1;
	v6 =	vadd.f32 v11, v3;
	v3 =	vld [tilespmem:s31+$0x5D00]  }
0xe4: {  	v4 =	vadd.f32 v5, v4;
	v8 =	vadd.f32 v8, v2;
	v10 =	vpsel !p5, $0x0, v9;
	v5 =	vld [tilespmem:s31+$0x5D10]  }
0xe5: {  	p6 =	sgt.s32 s21, $0x5;
	v2 =	vld [tilespmem:s31+$0x5D80];
	v11 =	vadd.f32 v9, v1;
	v6 =	vadd.f32 v7, v6;
	v1 =	vpsel !p5, $0x0, v7  }
0xe6: {  	s22 =	simm.s32 $0x400;
	v9 =	vadd.f32 v10, v4;
	v8 =	vadd.f32 v1, v8;
	v10 =	vpsel !p6, $0x0, v62;
	v4 =	vld [tilespmem:s31+$0x5D90]  }
0xe7: {  	s23 =	simm.s32 $0x7;
	s24 =	simm.s32 $0x2000;
	p1 =	sgt.s32 s21, $0x6;
	v1 =	vld [tilespmem:s22+$0x5A00];
	v7 =	vadd.f32 v62, v11;
	v6 =	vadd.f32 v63, v6;
	v11 =	vpsel !p6, $0x0, v63  }
.LBB2_5:
0xe8: {  	p0 =	sne.s32 s24, $0xF000;
	v12 =	vld [tilespmem:s22+$0x5A10];
	v9 =	vadd.f32 v10, v9;
	v8 =	vadd.f32 v11, v8;
	v10 =	vpsel !p1, $0x0, v3  }
0xe9: {  	v11 =	vld [tilespmem:s22+$0x5A80];
	v3 =	vadd.f32 v3, v7;
	v6 =	vadd.f32 v5, v6;
	v5 =	vpsel !p1, $0x0, v5;
	p1 =	slt.s32 s23, s21;
	s23 =	sadd.s32 $0x8, s23  }
0xea: {  	s25 =	sadd.s32 $0xFFFFFFF9, s23;
	v7 =	vld [tilespmem:s22+$0x5A90];
	v9 =	vadd.f32 v10, v9;
	v5 =	vadd.f32 v5, v8;
	v8 =	vpsel !p1, $0x0, v2  }
0xeb: {  	p2 =	slt.s32 s25, s21;
	v10 =	vld [tilespmem:s22+$0x5B00];
	v2 =	vadd.f32 v2, v3;
	v3 =	vadd.f32 v4, v6;
	v4 =	vpsel !p1, $0x0, v4  }
0xec: {  	s25 =	sadd.s32 $0xFFFFFFFA, s23;
	v6 =	vpsel !p2, $0x0, v1;
	v13 =	vld [tilespmem:s22+$0x5B10];
	v8 =	vadd.f32 v8, v9;
	v4 =	vadd.f32 v4, v5  }
0xed: {  	p1 =	slt.s32 s25, s21;
	v1 =	vadd.f32 v1, v2;
	v2 =	vadd.f32 v12, v3;
	v3 =	vpsel !p2, $0x0, v12;
	v5 =	vld [tilespmem:s22+$0x5B80]  }
0xee: {  	s25 =	sadd.s32 $0xFFFFFFFB, s23;
	v6 =	vadd.f32 v6, v8;
	v3 =	vadd.f32 v3, v4;
	v4 =	vpsel !p1, $0x0, v11;
	v8 =	vld [tilespmem:s22+$0x5B90]  }
0xef: {  	v1 =	vadd.f32 v11, v1;
	v2 =	vadd.f32 v7, v2;
	v7 =	vpsel !p1, $0x0, v7;
	p1 =	slt.s32 s25, s21;
	v9 =	vld [tilespmem:s22+$0x5C00]  }
0xf0: {  	s25 =	sadd.s32 $0xFFFFFFFC, s23;
	v4 =	vadd.f32 v4, v6;
	v3 =	vadd.f32 v7, v3;
	v6 =	vpsel !p1, $0x0, v10;
	v7 =	vld [tilespmem:s22+$0x5C10]  }
0xf1: {  	v1 =	vadd.f32 v10, v1;
	v2 =	vadd.f32 v13, v2;
	v10 =	vpsel !p1, $0x0, v13;
	p1 =	slt.s32 s25, s21;
	v11 =	vld [tilespmem:s22+$0x5C80]  }
0xf2: {  	s25 =	sadd.s32 $0xFFFFFFFD, s23;
	v4 =	vadd.f32 v6, v4;
	v6 =	vadd.f32 v10, v3;
	v10 =	vpsel !p1, $0x0, v5;
	v12 =	vld [tilespmem:s22+$0x5C90]  }
.Ltmp1:
0xf3: {  	v1 =	vadd.f32 v5, v1;
	v2 =	vadd.f32 v8, v2;
	v5 =	vpsel !p1, $0x0, v8;
	p1 =	slt.s32 s25, s21;
	v3 =	vld [tilespmem:s22+$0x5D00];
	(pc) =	sbr.rel @p0 .LBB2_5-.Ltmp1, $4  }
0xf4: {  	s25 =	sadd.s32 $0xFFFFFFFE, s23;
	v4 =	vadd.f32 v10, v4;
	v6 =	vadd.f32 v5, v6;
	v8 =	vpsel !p1, $0x0, v9;
	v5 =	vld [tilespmem:s22+$0x5D10]  }
0xf5: {  	v13 =	vadd.f32 v9, v1;
	v14 =	vadd.f32 v7, v2;
	v1 =	vpsel !p1, $0x0, v7;
	p1 =	slt.s32 s25, s21;
	v2 =	vld [tilespmem:s22+$0x5D80]  }
0xf6: {  	s25 =	sadd.s32 $0xFFFFFFFF, s23;
	v9 =	vadd.f32 v8, v4;
	v8 =	vadd.f32 v1, v6;
	v10 =	vpsel !p1, $0x0, v11;
	v4 =	vld [tilespmem:s22+$0x5D90];
	s22 =	sshra.s32 s24, $0x2  }
0xf7: {  	s24 =	sadd.s32 $0x1000, s24;
	v1 =	vld [tilespmem:s22+$0x5A00];
	v7 =	vadd.f32 v11, v13;
	v6 =	vadd.f32 v12, v14;
	v11 =	vpsel !p1, $0x0, v12;
	p1 =	slt.s32 s25, s21  }
0xf8: {  	v9 =	vadd.f32 v10, v9  }
0xf9: {  	v31 =	vld [tilespmem:s22+$0x5A10];
	v8 =	vadd.f32 v11, v8;
	v32 =	vpsel !p1, $0x0, v3  }
0xfa: {  	v12 =	vld [tilespmem:s22+$0x5A80];
	p0 =	slt.s32 s23, s21;
	s23 =	sadd.s32 $0x8, s23;
	v13 =	vpsel !p1, $0x0, v5;
	v9 =	vadd.f32 v32, v9  }
0xfb: {  	v33 =	vld [tilespmem:s22+$0x5A90];
	s24 =	sadd.s32 $0xFFFFFFF9, s23;
	v8 =	vadd.f32 v13, v8;
	v34 =	vpsel !p0, $0x0, v2  }
0xfc: {  	v14 =	vld [tilespmem:s22+$0x5B00];
	p5 =	slt.s32 s24, s21;
	v15 =	vpsel !p0, $0x0, v4;
	v9 =	vadd.f32 v34, v9  }
0xfd: {  	v16 =	vld [tilespmem:s22+$0x5B10];
	s25 =	sadd.s32 $0xFFFFFFFA, s23;
	v35 =	vpsel !p5, $0x0, v1;
	v8 =	vadd.f32 v15, v8  }
0xfe: {  	v17 =	vld [tilespmem:s22+$0x5B80];
	p6 =	slt.s32 s25, s21;
	v36 =	vpsel !p5, $0x0, v31;
	v9 =	vadd.f32 v35, v9  }
0xff: {  	v38 =	vld [tilespmem:s22+$0x5B90];
	s26 =	sadd.s32 $0xFFFFFFFB, s23;
	v37 =	vpsel !p6, $0x0, v12;
	v8 =	vadd.f32 v36, v8  }
0x100: {  	v39 =	vld [tilespmem:s22+$0x5C00];
	p1 =	slt.s32 s26, s21;
	v18 =	vpsel !p6, $0x0, v33;
	v9 =	vadd.f32 v37, v9  }
0x101: {  	v42 =	vld [tilespmem:s22+$0x5C10];
	v3 =	vadd.f32 v3, v7;
	s28 =	sadd.s32 $0xFFFFFFFC, s23;
	v41 =	vpsel !p1, $0x0, v14;
	v40 =	vadd.f32 v18, v8  }
0x102: {  	v45 =	vld [tilespmem:s22+$0x5C80];
	v43 =	vadd.f32 v5, v6;
	p2 =	slt.s32 s28, s21;
	v44 =	vpsel !p1, $0x0, v16;
	v8 =	vadd.f32 v41, v9  }
0x103: {  	v47 =	vld [tilespmem:s22+$0x5C90];
	s29 =	sadd.s32 $0xFFFFFFFD, s23;
	v2 =	vadd.f32 v2, v3;
	v46 =	vpsel !p2, $0x0, v17;
	v3 =	vadd.f32 v44, v40  }
0x104: {  	v50 =	vld [tilespmem:s22+$0x5D00];
	p3 =	slt.s32 s29, s21;
	v48 =	vadd.f32 v4, v43;
	v49 =	vpsel !p2, $0x0, v38;
	v6 =	vadd.f32 v46, v8  }
0x105: {  	v51 =	vld [tilespmem:s22+$0x5D10];
	s30 =	sadd.s32 $0xFFFFFFFE, s23;
	v1 =	vadd.f32 v1, v2;
	v2 =	vadd.f32 v49, v3;
	v3 =	vpsel !p3, $0x0, v39  }
0x106: {  	v53 =	vld [tilespmem:s22+$0x5D80];
	p4 =	slt.s32 s30, s21;
	v4 =	vadd.f32 v31, v48;
	v52 =	vpsel !p3, $0x0, v42;
	v3 =	vadd.f32 v3, v6  }
0x107: {  	v55 =	vld [tilespmem:s22+$0x5D90];
	s31 =	sadd.s32 $0xFFFFFFFF, s23;
	v54 =	vpsel !p4, $0x0, v45;
	v1 =	vadd.f32 v12, v1;
	v2 =	vadd.f32 v52, v2  }
0x108: {  	s20 =	sshll.u32 s20, $0x5;
	v56 =	vpsel !p4, $0x0, v47;
	p5 =	slt.s32 s31, s21;
	v4 =	vadd.f32 v33, v4;
	v3 =	vadd.f32 v54, v3  }
0x109: {  	v58 =	vld [tilespmem:s20+$0x9A00];
	v57 =	vpsel !p5, $0x0, v50;
	v1 =	vadd.f32 v14, v1;
	v2 =	vadd.f32 v56, v2  }
0x10a: {  	v60 =	vld [tilespmem:s20+$0x9A10];
	p6 =	slt.s32 s23, s21;
	v59 =	vpsel !p5, $0x0, v51;
	v4 =	vadd.f32 v16, v4;
	v3 =	vadd.f32 v57, v3  }
0x10b: {  	v61 =	vpsel !p6, $0x0, v53;
	v1 =	vadd.f32 v17, v1;
	v2 =	vadd.f32 v59, v2  }
0x10c: {  	v62 =	vpsel !p6, $0x0, v55;
	v4 =	vadd.f32 v38, v4;
	v3 =	vadd.f32 v61, v3  }
0x10d: {  	v1 =	vadd.f32 v39, v1;
	v2 =	vadd.f32 v62, v2  }
0x10e: {  	v4 =	vadd.f32 v42, v4;
	v11 =	vadd.f32 v58, v3  }
0x10f: {  	v1 =	vadd.f32 v45, v1;
	v63 =	vadd.f32 v60, v2  }
0x110: {  	p0 =	sgt.s32 s19, $0x7F;
	v4 =	vadd.f32 v47, v4;
	[tilespmem:s20+$0x9A00] =	vst v11  }
0x111: {  	s18 =	sshll.u32 @!p0 s18, $0x5;
	v1 =	vadd.f32 v50, v1;
	[tilespmem:s20+$0x9A10] =	vst v63  }
0x112: {  	v4 =	vadd.f32 v51, v4;
	v5 =	vld @!p0 [tilespmem:s18+$0x9A00]  }
0x113: {  	v1 =	vadd.f32 v53, v1;
	v6 =	vld @!p0 [tilespmem:s18+$0x9A10]  }
0x114: {  	s17 =	sadd.s32 $0x1, s17;
	v4 =	vadd.f32 v55, v4  }
0x115: {  	p1 =	sne.s32 s17, $0x19;
	v1 =	vsub.f32 @!p0 v1, v3  }
.Ltmp2:
0x116: {  	v2 =	vsub.f32 @!p0 v4, v2;
	(pc) =	sbr.rel @p1 .LBB2_2-.Ltmp2, $4  }
0x117: {  	v1 =	vadd.f32 @!p0 v5, v1  }
0x118: {  	v2 =	vadd.f32 @!p0 v6, v2  }
0x119: {  	[tilespmem:s18+$0x9A00] =	vst @!p0 v1  }
0x11a: {  	[tilespmem:s18+$0x9A10] =	vst @!p0 v2  }
0x11b: {  	s17 =	simm.s32 $0x0  }
0x11c: {  	s18 =	simm.s32 $0x80;
	v1 =	vld [tilespmem:s17+$0x9A00]  }
.LBB2_8:
0x11d: {  	p0 =	sne.s32 s18, $0xF80;
	v2 =	vld [tilespmem:s17+$0x9A10];
	_ =	sdelay $0x2  }
.Ltmp3:
0x11e: {  	(pc) =	sbr.rel @p0 .LBB2_8-.Ltmp3, $4  }
0x11f: {  	v1 =	vmul.f32 $4.999999890e-03, v1  }
0x120: {  	v2 =	vmul.f32 $4.999999890e-03, v2  }
0x121: {  	s19 =	sshra.s32 s18, $0x2;
	[tilespmem:s17+$0x9A00] =	vst v1  }
0x122: {  	s18 =	sadd.s32 $0x80, s18;
	v1 =	vld [tilespmem:s19+$0x9A00];
	[tilespmem:s17+$0x9A10] =	vst v2;
	s17 =	smov.u32 s19  }
0x123: {  	v2 =	vld [tilespmem:s17+$0x9A10];
	_ =	sdelay $0x3  }
0x124: {  	v1 =	vmul.f32 $4.999999890e-03, v1  }
0x125: {  	s16 =	sadd.s32 $0x1, s16;
	v2 =	vmul.f32 $4.999999890e-03, v2  }
0x126: {  	p0 =	sne.s32 s16, s6;
	[tilespmem:s17+$0x9A00] =	vst v1  }
.Ltmp4:
0x127: {  	[tilespmem:s17+$0x9A10] =	vst v2;
	(pc) =	sbr.rel @p0 .LBB2_1-.Ltmp4, $4  }
0x128: {  	[hbm4b:s5+s2] =	stream.linear.scatter [tilespmem:s15], [sflag:$0x3], $0x400, $0x38;
	[tilespmem:$0x9E00] =	vst v63  }
0x129: {  	_ =	swait.ge [sflag:s7], $0x400  }
0x12a: {  	[sflag:s7] =	ssyncset.done $0x0  }
0x12b: {  	[sflag:s7] =	ssyncadd.s32 $0xFFFFFC00  }
0x12c: {  	_ =	sfence.sel $0x180000  }
0x12d: {  	[bflag:$0x0] =	sbarrier.arrive $0xFFFF  }
0x12e: {  	p0 =	sne.s32 s0, $0x0;
	_ =	strace $0x90000047  }
0x12f: {  	s0 =	sadd.s32 @!p0 $0x100000, s1;
	[bflag:$0x2] =	sbarrier.arrive $0xFFFF  }
0x130: {  	[sflag:s0] =	ssyncadd.tile.s32 @!p0 $0x1;
	_ =	shalt  }
.Lfunc_end2:
_tile_overlayer_lowered:
.L_overlay_start_2:
0x131: {  	(tag) =	ssettag $0x2  }
0x132: {  	s0 =	rddreg [dreg:$0x0];
	s2 =	stileid.u32  }
0x133: {  	s1 =	rddreg [dreg:$0x1];
	p0 =	sne.s32 s2, $0x0  }
0x134: {  	s3 =	rddreg [dreg:$0x2];
	[bflag:$0x3] =	sbarrier.arrive $0xFFFF;
	s2 =	simm.s32 @!p0 $0x1C03  }
0x135: {  	[timem:s3], [sflag:s2] =	dma.local @!p0 [hbm:s0], s1  }
0x136: {  	s0 =	simm.s32 @!p0 $0x3  }
0x137: {  	_ =	swait.ge @!p0 [sflag:s0], s1  }
0x138: {  	s1 =	ssub.s32 @!p0 $0x0, s1;
	[sflag:s0] =	ssyncset.done @!p0 $0x0  }
0x139: {  	[sflag:s0] =	ssyncadd.s32 @!p0 s1  }
0x13a: {  	[bflag:$0x3] =	sbarrier.arrive $0xFFFF  }
0x13b: {  	_ =	shalt  }

</sc_bundles>
